<compile_context>
chip_gen: v7x
topology: tpu7x:2x2x1
jax: 0.10.2.dev20260603
libtpu: 0.0.44.dev20260713+nightly
codegen_flags: <defaults>
</compile_context>

<pallas_src>
import functools

import numpy as np
import jax
from jax import lax
import jax.numpy as jnp
from jax.experimental import pallas as pl
from jax.experimental.pallas import tpu as pltpu
from jax.experimental.pallas import tpu_sc as plsc

_EPS = 1.1920929e-07
_T, _C, _H, _KVH, _HD, _E = 2048, 768, 12, 4, 64, 8
_HALF = _HD // 2
_BT = 256
_TQ = 512
_BTG = 128
_NB = _T * 2 // _BTG + _E
_NP = _NB * _BTG


def _rms(x):
    return x * jax.lax.rsqrt(jnp.mean(jnp.square(x), axis=-1, keepdims=True) + _EPS)


def _rothead(z, h, c, s):
    x1 = z[:, h * _HD:h * _HD + _HALF]
    x2 = z[:, h * _HD + _HALF:(h + 1) * _HD]
    hd = jnp.concatenate([x1 * c + x2 * s, x2 * c - x1 * s], axis=1)
    ms = jnp.mean(hd * hd, axis=1, keepdims=True)
    return hd * jax.lax.rsqrt(ms + _EPS)


def _prep_body(x_ref, ve_ref, cos_ref, sin_ref, wq_ref, wk_ref, wv_ref, wg_ref,
               q_ref, k_ref, v_ref):
    x = x_ref[...]
    xn = _rms(x)
    q = jnp.dot(xn, wq_ref[...], preferred_element_type=jnp.float32)
    k = jnp.dot(xn, wk_ref[...], preferred_element_type=jnp.float32)
    v = jnp.dot(xn, wv_ref[...], preferred_element_type=jnp.float32)
    gate = 2.0 * jax.nn.sigmoid(
        jnp.dot(xn[:, :32], wg_ref[...], preferred_element_type=jnp.float32))
    c = cos_ref[...]
    s = sin_ref[...]
    isq = 1.0 / np.sqrt(_HD)
    q_ref[...] = jnp.stack(
        [_rothead(q, h, c, s) * isq for h in range(_H)], axis=0
    ).astype(jnp.bfloat16)
    k_ref[...] = jnp.stack(
        [_rothead(k, h, c, s) for h in range(_KVH)], axis=0
    ).astype(jnp.bfloat16)
    v_ref[...] = jnp.stack(
        [v[:, h * _HD:(h + 1) * _HD]
         + gate[:, h:h + 1] * ve_ref[:, h * _HD:(h + 1) * _HD]
         for h in range(_KVH)], axis=0
    ).astype(jnp.bfloat16)


_QG = _H // _KVH


def _attn_body(q_ref, k_ref, v_ref, o_ref, acc_ref, l_ref):
    iq = pl.program_id(1)
    jk = pl.program_id(2)

    @pl.when(jk == 0)
    def _():
        acc_ref[...] = jnp.zeros_like(acc_ref)
        l_ref[...] = jnp.zeros_like(l_ref)

    @pl.when(jk <= iq)
    def _():
        q = q_ref[...].reshape(_QG * _TQ, _HD)
        k = k_ref[0]
        s = jax.lax.dot_general(q, k, (((1,), (1,)), ((), ())),
                                preferred_element_type=jnp.float32)
        rowm = jax.lax.broadcasted_iota(jnp.int32, s.shape, 0) % _TQ
        col = jax.lax.broadcasted_iota(jnp.int32, s.shape, 1)
        p = jnp.where(jk * _TQ + col <= iq * _TQ + rowm, jnp.exp(s), 0.0)
        l_ref[...] += jnp.sum(p, axis=-1, keepdims=True)
        acc_ref[...] += jnp.dot(p.astype(jnp.bfloat16), v_ref[0],
                                preferred_element_type=jnp.float32)

    @pl.when(jk == iq)
    def _():
        o_ref[...] = (acc_ref[...] / l_ref[...]).reshape(
            _QG, _TQ, _HD).astype(jnp.bfloat16)


def _post_body(x_ref, y_ref, wo_ref, wfc_ref, wproj_ref, wrt_ref,
               base_ref, xn2_ref, ti_ref, tw_ref):
    y = jnp.concatenate([y_ref[h] for h in range(_H)], axis=1)
    attn = jnp.dot(y, wo_ref[...], preferred_element_type=jnp.float32)
    xnew = x_ref[...] + attn
    xn2 = _rms(xnew)
    xn2_ref[...] = xn2
    hs = jnp.maximum(
        jnp.dot(xn2.astype(jnp.bfloat16), wfc_ref[...],
                preferred_element_type=jnp.float32), 0.0)
    shared = jnp.dot((hs * hs).astype(jnp.bfloat16), wproj_ref[...],
                     preferred_element_type=jnp.float32)
    base_ref[...] = xnew + shared
    r = jax.nn.sigmoid(jnp.dot(xn2, wrt_ref[...], preferred_element_type=jnp.float32))
    lane = jax.lax.broadcasted_iota(jnp.int32, r.shape, 1)
    m1 = jnp.max(r, axis=-1, keepdims=True)
    i1 = jnp.min(jnp.where(r == m1, lane, _E), axis=-1, keepdims=True)
    mask1 = lane == i1
    r2 = jnp.where(mask1, -1.0, r)
    m2 = jnp.max(r2, axis=-1, keepdims=True)
    i2 = jnp.min(jnp.where(r2 == m2, lane, _E), axis=-1, keepdims=True)
    den = m1 + m2 + 1e-20
    ti_ref[...] = jnp.concatenate([i1, i2], axis=1)
    tw_ref[...] = jnp.concatenate([m1 / den, m2 / den], axis=1)


def _route_body(ti_ref, pos_ref, beid_ref, bval_ref, cum_ref):
    ti = ti_ref[...]
    lane8 = jax.lax.broadcasted_iota(jnp.int32, (2 * _T, _E), 1)
    oh = (ti == lane8).astype(jnp.float32)
    ri = jax.lax.broadcasted_iota(jnp.int32, (512, 512), 0)
    ci = jax.lax.broadcasted_iota(jnp.int32, (512, 512), 1)
    lt = (ci <= ri).astype(jnp.float32)
    carry = jnp.zeros((1, _E), jnp.float32)
    for c in range(2 * _T // 512):
        ohc = oh[c * 512:(c + 1) * 512, :]
        cum_ref[c * 512:(c + 1) * 512, :] = (
            jnp.dot(lt, ohc, preferred_element_type=jnp.float32) + carry)
        carry = carry + jnp.sum(ohc, axis=0, keepdims=True)
    totals = carry.astype(jnp.int32)
    padded = ((totals + (_BTG - 1)) // _BTG) * _BTG
    sr = jax.lax.broadcasted_iota(jnp.int32, (_E, _E), 0)
    sc = jax.lax.broadcasted_iota(jnp.int32, (_E, _E), 1)
    slt = (sr < sc).astype(jnp.float32)
    offs = jnp.dot(padded.astype(jnp.float32), slt,
                   preferred_element_type=jnp.float32).astype(jnp.int32)
    cum = cum_ref[...]
    posf = jnp.sum(
        jnp.where(ti == lane8, offs.astype(jnp.float32) + cum - 1.0, 0.0),
        axis=1, keepdims=True)
    pos_ref[...] = posf.astype(jnp.int32)
    ends = offs + padded
    lane_e = jax.lax.broadcasted_iota(jnp.int32, (1, _E), 1)
    bs = jax.lax.broadcasted_iota(jnp.int32, (1, _NB), 1) * _BTG
    cnt = jnp.zeros((1, _NB), jnp.int32)
    for e in range(_E):
        ee = jnp.sum(jnp.where(lane_e == e, ends, 0))
        cnt = cnt + jnp.where(bs >= ee, 1, 0)
    beid_ref[...] = jnp.minimum(cnt, _E - 1)
    total = jnp.sum(jnp.where(lane_e == _E - 1, ends, 0))
    bval_ref[...] = (bs < total).astype(jnp.int32)


def _gmm_body(eid_ref, bval_ref, x_ref, w1_ref, w2_ref, o_ref):
    b = pl.program_id(0)

    @pl.when(bval_ref[b] == 1)
    def _():
        h = jnp.maximum(
            jnp.dot(x_ref[...], w1_ref[0], preferred_element_type=jnp.float32), 0.0)
        o_ref[...] = jnp.dot(h * h, w2_ref[0], preferred_element_type=jnp.float32)


def _comb_body(base_ref, a_ref, b_ref, w0_ref, w1_ref, out_ref):
    out_ref[...] = (base_ref[...] + w0_ref[...] * a_ref[...]
                    + w1_ref[...] * b_ref[...])


_SC_ROWS = _T // 32


def _sc_dispatch(xn2, pos_e, pos_o):
    mesh = plsc.VectorSubcoreMesh(core_axis_name="c", subcore_axis_name="s")

    @functools.partial(
        pl.kernel,
        out_type=jax.ShapeDtypeStruct((_NP, _C), jnp.float32),
        mesh=mesh,
        scratch_types=[
            pltpu.VMEM((_SC_ROWS,), jnp.int32),
            pltpu.VMEM((_SC_ROWS, _C), jnp.float32),
            pltpu.SemaphoreType.DMA,
        ],
    )
    def run(xn2_hbm, pe_hbm, po_hbm, xs_hbm, idx_v, rows_v, sem):
        wid = lax.axis_index("s") * 2 + lax.axis_index("c")
        base = wid * _SC_ROWS
        pltpu.sync_copy(xn2_hbm.at[pl.ds(base, _SC_ROWS)], rows_v)
        pltpu.sync_copy(pe_hbm.at[pl.ds(base, _SC_ROWS)], idx_v)
        pltpu.async_copy(rows_v, xs_hbm.at[idx_v], sem).wait()
        pltpu.sync_copy(po_hbm.at[pl.ds(base, _SC_ROWS)], idx_v)
        pltpu.async_copy(rows_v, xs_hbm.at[idx_v], sem).wait()

    return run(xn2, pos_e, pos_o)


def _sc_gather2(outs, pos_e, pos_o):
    mesh = plsc.VectorSubcoreMesh(core_axis_name="c", subcore_axis_name="s")

    @functools.partial(
        pl.kernel,
        out_type=[
            jax.ShapeDtypeStruct((_T, _C), jnp.float32),
            jax.ShapeDtypeStruct((_T, _C), jnp.float32),
        ],
        mesh=mesh,
        scratch_types=[
            pltpu.VMEM((_SC_ROWS,), jnp.int32),
            pltpu.VMEM((_SC_ROWS, _C), jnp.float32),
            pltpu.SemaphoreType.DMA,
        ],
    )
    def run(outs_hbm, pe_hbm, po_hbm, a_hbm, b_hbm, idx_v, rows_v, sem):
        wid = lax.axis_index("s") * 2 + lax.axis_index("c")
        base = wid * _SC_ROWS
        pltpu.sync_copy(pe_hbm.at[pl.ds(base, _SC_ROWS)], idx_v)
        pltpu.async_copy(outs_hbm.at[idx_v], rows_v, sem).wait()
        pltpu.sync_copy(rows_v, a_hbm.at[pl.ds(base, _SC_ROWS)])
        pltpu.sync_copy(po_hbm.at[pl.ds(base, _SC_ROWS)], idx_v)
        pltpu.async_copy(outs_hbm.at[idx_v], rows_v, sem).wait()
        pltpu.sync_copy(rows_v, b_hbm.at[pl.ds(base, _SC_ROWS)])

    return run(outs, pos_e, pos_o)


def kernel(x, ve, cos, sin, window_size, Wq, Wk, Wv, Wo, Wg, Wr, Wfc_s, Wproj_s, W1, W2):
    B, T, C = x.shape
    assert (B, T, C) == (1, _T, _C)
    xf = x.reshape(_T, _C)
    vef = ve.reshape(_T, _KVH * _HD)
    cosf = cos.reshape(_T, _HALF)
    sinf = sin.reshape(_T, _HALF)

    nt = _T // _BT
    full = lambda shape: pl.BlockSpec(shape, lambda i: (0,) * len(shape))
    qh, kh, vh = pl.pallas_call(
        _prep_body,
        grid=(nt,),
        in_specs=[
            pl.BlockSpec((_BT, _C), lambda i: (i, 0)),
            pl.BlockSpec((_BT, _KVH * _HD), lambda i: (i, 0)),
            pl.BlockSpec((_BT, _HALF), lambda i: (i, 0)),
            pl.BlockSpec((_BT, _HALF), lambda i: (i, 0)),
            full((_C, _H * _HD)),
            full((_C, _KVH * _HD)),
            full((_C, _KVH * _HD)),
            full((32, _KVH)),
        ],
        out_specs=[
            pl.BlockSpec((_H, _BT, _HD), lambda i: (0, i, 0)),
            pl.BlockSpec((_KVH, _BT, _HD), lambda i: (0, i, 0)),
            pl.BlockSpec((_KVH, _BT, _HD), lambda i: (0, i, 0)),
        ],
        out_shape=[
            jax.ShapeDtypeStruct((_H, _T, _HD), jnp.bfloat16),
            jax.ShapeDtypeStruct((_KVH, _T, _HD), jnp.bfloat16),
            jax.ShapeDtypeStruct((_KVH, _T, _HD), jnp.bfloat16),
        ],
    )(xf, vef, cosf, sinf, Wq, Wk, Wv, Wg)

    nq = _T // _TQ
    oh = pl.pallas_call(
        _attn_body,
        grid=(_KVH, nq, nq),
        in_specs=[
            pl.BlockSpec((_QG, _TQ, _HD), lambda h, i, j: (h, i, 0)),
            pl.BlockSpec((1, _TQ, _HD),
                         lambda h, i, j: (h, jnp.minimum(i, j), 0)),
            pl.BlockSpec((1, _TQ, _HD),
                         lambda h, i, j: (h, jnp.minimum(i, j), 0)),
        ],
        out_specs=pl.BlockSpec((_QG, _TQ, _HD), lambda h, i, j: (h, i, 0)),
        out_shape=jax.ShapeDtypeStruct((_H, _T, _HD), jnp.bfloat16),
        scratch_shapes=[
            pltpu.VMEM((_QG * _TQ, _HD), jnp.float32),
            pltpu.VMEM((_QG * _TQ, 1), jnp.float32),
        ],
    )(qh, kh, vh)

    base, xn2, ti, tw = pl.pallas_call(
        _post_body,
        grid=(nt,),
        in_specs=[
            pl.BlockSpec((_BT, _C), lambda i: (i, 0)),
            pl.BlockSpec((_H, _BT, _HD), lambda i: (0, i, 0)),
            full((_C, _C)),
            full((_C, _C)),
            full((_C, _C)),
            full((_C, _E)),
        ],
        out_specs=[
            pl.BlockSpec((_BT, _C), lambda i: (i, 0)),
            pl.BlockSpec((_BT, _C), lambda i: (i, 0)),
            pl.BlockSpec((_BT, 2), lambda i: (i, 0)),
            pl.BlockSpec((_BT, 2), lambda i: (i, 0)),
        ],
        out_shape=[
            jax.ShapeDtypeStruct((_T, _C), jnp.float32),
            jax.ShapeDtypeStruct((_T, _C), jnp.float32),
            jax.ShapeDtypeStruct((_T, 2), jnp.int32),
            jax.ShapeDtypeStruct((_T, 2), jnp.float32),
        ],
    )(xf, oh, Wo.astype(jnp.bfloat16), Wfc_s.astype(jnp.bfloat16),
      Wproj_s.astype(jnp.bfloat16), Wr.T)

    pos, beid, bval = pl.pallas_call(
        _route_body,
        grid=(1,),
        in_specs=[pl.BlockSpec((2 * _T, 1), lambda i: (0, 0))],
        out_specs=[
            pl.BlockSpec((2 * _T, 1), lambda i: (0, 0)),
            pl.BlockSpec((1, _NB), lambda i: (0, 0)),
            pl.BlockSpec((1, _NB), lambda i: (0, 0)),
        ],
        out_shape=[
            jax.ShapeDtypeStruct((2 * _T, 1), jnp.int32),
            jax.ShapeDtypeStruct((1, _NB), jnp.int32),
            jax.ShapeDtypeStruct((1, _NB), jnp.int32),
        ],
        scratch_shapes=[pltpu.VMEM((2 * _T, _E), jnp.float32)],
    )(ti.reshape(2 * _T, 1))

    pos2 = pos.reshape(_T, 2)
    pos_e = pos2[:, 0]
    pos_o = pos2[:, 1]

    x_sorted = _sc_dispatch(xn2, pos_e, pos_o)

    grid_spec = pltpu.PrefetchScalarGridSpec(
        num_scalar_prefetch=2,
        grid=(_NB,),
        in_specs=[
            pl.BlockSpec((_BTG, _C), lambda b, eid, bv: (b, 0)),
            pl.BlockSpec((1, _C, _C), lambda b, eid, bv: (eid[b], 0, 0)),
            pl.BlockSpec((1, _C, _C), lambda b, eid, bv: (eid[b], 0, 0)),
        ],
        out_specs=pl.BlockSpec((_BTG, _C), lambda b, eid, bv: (b, 0)),
    )
    outs = pl.pallas_call(
        _gmm_body,
        grid_spec=grid_spec,
        out_shape=jax.ShapeDtypeStruct((_NP, _C), jnp.float32),
    )(beid.reshape(_NB), bval.reshape(_NB), x_sorted, W1, W2)

    a_rows, b_rows = _sc_gather2(outs, pos_e, pos_o)

    out = pl.pallas_call(
        _comb_body,
        grid=(nt,),
        in_specs=[
            pl.BlockSpec((_BT, _C), lambda i: (i, 0)),
            pl.BlockSpec((_BT, _C), lambda i: (i, 0)),
            pl.BlockSpec((_BT, _C), lambda i: (i, 0)),
            pl.BlockSpec((_BT, 1), lambda i: (i, 0)),
            pl.BlockSpec((_BT, 1), lambda i: (i, 0)),
        ],
        out_specs=pl.BlockSpec((_BT, _C), lambda i: (i, 0)),
        out_shape=jax.ShapeDtypeStruct((_T, _C), jnp.float32),
    )(base, a_rows, b_rows, tw[:, 0:1], tw[:, 1:2])

    return out.reshape(1, _T, _C)

# --- scband reference (transcript-rebuilt; emitter-appended) ---
"""Pipeline reference for scband-block-14465449853191 (READ-ONLY COPY).

The authoritative reference and input builder live on the scoring server;
editing this copy changes nothing except your own understanding.
"""

import jax, jax.numpy as jnp
import numpy as np

_EPS = 1.1920929e-07

def _rmsnorm(x):
    return x * jax.lax.rsqrt(jnp.mean(jnp.square(x), axis=-1, keepdims=True) + _EPS)

def _rotary(x, cos, sin):
    d = x.shape[3] // 2
    x1, x2 = x[..., :d], x[..., d:]
    return jnp.concatenate([x1 * cos + x2 * sin, x1 * (-sin) + x2 * cos], axis=3)

def setup_inputs(seed: int = 0):
    key = jax.random.key(seed)
    ks = jax.random.split(key, 14)
    B, T, C = 1, 2048, 768
    H, KVH = 12, 4
    HD = C // H
    E = 8
    s = 0.02
    x = jax.random.normal(ks[0], (B, T, C), jnp.float32)
    ve = jax.random.normal(ks[1], (B, T, KVH * HD), jnp.float32)
    half = HD // 2
    theta = 1.0 / (10000.0 ** (jnp.arange(half, dtype=jnp.float32) / half))
    ang = jnp.arange(T, dtype=jnp.float32)[:, None] * theta[None, :]
    cos = jnp.cos(ang)[None, :, None, :]
    sin = jnp.sin(ang)[None, :, None, :]
    Wq = jax.random.normal(ks[2], (C, H * HD), jnp.float32) * s
    Wk = jax.random.normal(ks[3], (C, KVH * HD), jnp.float32) * s
    Wv = jax.random.normal(ks[4], (C, KVH * HD), jnp.float32) * s
    Wo = jax.random.normal(ks[5], (C, C), jnp.float32) * s
    Wg = jax.random.normal(ks[6], (32, KVH), jnp.float32) * s
    Wr = jax.random.normal(ks[7], (E, C), jnp.float32) * s
    Wfc_s = jax.random.normal(ks[8], (C, C), jnp.float32) * s
    Wproj_s = jax.random.normal(ks[9], (C, C), jnp.float32) * s
    W1 = jax.random.normal(ks[10], (E, C, C), jnp.float32) * s
    W2 = jax.random.normal(ks[11], (E, C, C), jnp.float32) * s
    return {"x": x, "ve": ve, "cos": cos, "sin": sin, "window_size": 2048, "Wq": Wq, "Wk": Wk, "Wv": Wv, "Wo": Wo, "Wg": Wg, "Wr": Wr, "Wfc_s": Wfc_s, "Wproj_s": Wproj_s, "W1": W1, "W2": W2}

def reference(x, ve, cos, sin, window_size, Wq, Wk, Wv, Wo, Wg, Wr, Wfc_s, Wproj_s, W1, W2):
    B, T, C = x.shape
    H, KVH = 12, 4
    HD = C // H
    TOPK = 2
    # attention branch
    xn = _rmsnorm(x)
    q = (xn @ Wq).reshape(B, T, H, HD)
    k = (xn @ Wk).reshape(B, T, KVH, HD)
    v = (xn @ Wv).reshape(B, T, KVH, HD)
    gate = 2.0 * jax.nn.sigmoid(xn[..., :32] @ Wg)
    v = v + gate[..., None] * ve.reshape(B, T, KVH, HD)
    q = _rotary(q, cos, sin)
    k = _rotary(k, cos, sin)
    q = _rmsnorm(q)
    k = _rmsnorm(k)
    rep = H // KVH
    kf = jnp.repeat(k, rep, axis=2).transpose(0, 2, 1, 3)
    vf = jnp.repeat(v, rep, axis=2).transpose(0, 2, 1, 3)
    qh = q.transpose(0, 2, 1, 3)
    scores = jnp.einsum("bhqd,bhkd->bhqk", qh, kf) / np.sqrt(HD).astype(np.float32)
    i = jnp.arange(T)[:, None]
    j = jnp.arange(T)[None, :]
    mask = (j <= i) & ((i - j) <= window_size)
    scores = jnp.where(mask[None, None], scores, -1e30)
    p = jax.nn.softmax(scores, axis=-1)
    y = jnp.einsum("bhqk,bhkd->bhqd", p, vf).transpose(0, 2, 1, 3).reshape(B, T, C) @ Wo
    x = x + y
    # MoE branch
    xn2 = _rmsnorm(x)
    shared = jnp.square(jax.nn.relu(xn2 @ Wfc_s)) @ Wproj_s
    xf = xn2.reshape(-1, C)
    logits = xf @ Wr.T
    rscores = jax.nn.sigmoid(logits)
    _, topi = jax.lax.top_k(rscores, TOPK)  # balance_bias is zeros, so selection == scores
    topw = jnp.take_along_axis(rscores, topi, axis=1)
    topw = topw / (jnp.sum(topw, axis=-1, keepdims=True) + 1e-20)
    routed = jnp.zeros_like(xf)
    E = Wr.shape[0]
    for e in range(E):
        ge = jnp.sum(topw * (topi == e).astype(topw.dtype), axis=-1)
        oe = jnp.square(jax.nn.relu(xf @ W1[e])) @ W2[e]
        routed = routed + ge[:, None] * oe
    return x + shared + routed.reshape(B, T, C)

if __name__ == "__main__":
    import jax
    _d = setup_inputs()
    print(jax.jit(kernel)(*tuple(_d.values())))

</pallas_src>

<mosaic_0001>
#map = affine_map<(d0, d1) -> (0, 0)>
#map1 = affine_map<(d0, d1) -> (0)>
module attributes {stable_mosaic.version = 14 : i64} {
  func.func @run(%arg0: i32, %arg1: i32, %arg2: memref<2048x768xf32, #tpu.memory_space<hbm>>, %arg3: memref<2048xi32, #tpu.memory_space<hbm>>, %arg4: memref<2048xi32, #tpu.memory_space<hbm>>, %arg5: memref<5120x768xf32, #tpu.memory_space<hbm>>, %arg6: memref<64xi32, #tpu.memory_space<vmem>>, %arg7: memref<64x768xf32, #tpu.memory_space<vmem>>, %arg8: memref<!tpu.dma_semaphore, #tpu.memory_space<semaphore_mem>>) attributes {dimension_semantics = [#tpu.dimension_semantics<core_parallel>, #tpu.dimension_semantics<subcore_parallel>], iteration_bounds = array<i64: 2, 16>, scalar_prefetch = 0 : i64, scratch_operands = 3 : i64, tpu.core_type = #tpu.core_type<sc_vector_subcore>, window_params = [{transform_indices = #map}, {transform_indices = #map1}, {transform_indices = #map1}, {transform_indices = #map}]} {
    %mul3A = arith.constant 2 : i32
    %mul3A_0 = arith.muli %arg1, %mul3A : i32
    %add3A = arith.addi %mul3A_0, %arg0 : i32
    %mul3A_1 = arith.constant 64 : i32
    %mul3A_2 = arith.muli %add3A, %mul3A_1 : i32
    "tpu.region"() ({
      %run_scoped3A = tpu.sem_alloc : memref<!tpu.dma_semaphore, #tpu.memory_space<semaphore_mem>>
      %dma_start3A_13 = arith.constant 0 : i32
      %dma_start3A_14 = tpu.memref_slice %arg2[%mul3A_2, %dma_start3A_13] : memref<2048x768xf32, #tpu.memory_space<hbm>> -> memref<64x768xf32, #tpu.memory_space<hbm>>
      %dma_start3A_15 = arith.constant 0 : i32
      %dma_start3A_16 = tpu.memref_slice %arg2[%mul3A_2, %dma_start3A_15] : memref<2048x768xf32, #tpu.memory_space<hbm>> -> memref<64x768xf32, #tpu.memory_space<hbm>>
      tpu.enqueue_dma source(%dma_start3A_16 : memref<64x768xf32, #tpu.memory_space<hbm>>) target(%arg7 : memref<64x768xf32, #tpu.memory_space<vmem>>) target_semaphore(%run_scoped3A : memref<!tpu.dma_semaphore, #tpu.memory_space<semaphore_mem>>)
      %dma_wait3A_17 = arith.constant 0 : i32
      %dma_wait3A_18 = tpu.memref_slice %arg2[%mul3A_2, %dma_wait3A_17] : memref<2048x768xf32, #tpu.memory_space<hbm>> -> memref<64x768xf32, #tpu.memory_space<hbm>>
      %dma_wait3A_19 = arith.constant 0 : i32
      %dma_wait3A_20 = tpu.memref_slice %arg2[%mul3A_2, %dma_wait3A_19] : memref<2048x768xf32, #tpu.memory_space<hbm>> -> memref<64x768xf32, #tpu.memory_space<hbm>>
      tpu.wait_dma2 semaphore(%run_scoped3A : memref<!tpu.dma_semaphore, #tpu.memory_space<semaphore_mem>>) src(%dma_wait3A_20 : memref<64x768xf32, #tpu.memory_space<hbm>>) dst(%arg7 : memref<64x768xf32, #tpu.memory_space<vmem>>)
      tpu.yield
    }) : () -> ()
    "tpu.region"() ({
      %run_scoped3A = tpu.sem_alloc : memref<!tpu.dma_semaphore, #tpu.memory_space<semaphore_mem>>
      %dma_start3A_13 = tpu.memref_slice %arg3[%mul3A_2] : memref<2048xi32, #tpu.memory_space<hbm>> -> memref<64xi32, #tpu.memory_space<hbm>>
      %dma_start3A_14 = tpu.memref_slice %arg3[%mul3A_2] : memref<2048xi32, #tpu.memory_space<hbm>> -> memref<64xi32, #tpu.memory_space<hbm>>
      tpu.enqueue_dma source(%dma_start3A_14 : memref<64xi32, #tpu.memory_space<hbm>>) target(%arg6 : memref<64xi32, #tpu.memory_space<vmem>>) target_semaphore(%run_scoped3A : memref<!tpu.dma_semaphore, #tpu.memory_space<semaphore_mem>>)
      %dma_wait3A_15 = tpu.memref_slice %arg3[%mul3A_2] : memref<2048xi32, #tpu.memory_space<hbm>> -> memref<64xi32, #tpu.memory_space<hbm>>
      %dma_wait3A_16 = tpu.memref_slice %arg3[%mul3A_2] : memref<2048xi32, #tpu.memory_space<hbm>> -> memref<64xi32, #tpu.memory_space<hbm>>
      tpu.wait_dma2 semaphore(%run_scoped3A : memref<!tpu.dma_semaphore, #tpu.memory_space<semaphore_mem>>) src(%dma_wait3A_16 : memref<64xi32, #tpu.memory_space<hbm>>) dst(%arg6 : memref<64xi32, #tpu.memory_space<vmem>>)
      tpu.yield
    }) : () -> ()
    %dma_start3A = arith.constant 0 : i32
    %dma_start3A_3 = arith.constant 0 : i32
    %dma_start3A_4 = tpu.memref_slice %arg5[%dma_start3A, %dma_start3A_3] : memref<5120x768xf32, #tpu.memory_space<hbm>> -> memref<5120x768xf32, #tpu.memory_space<hbm>>
    tpu.enqueue_indirect_dma source(%arg7 : memref<64x768xf32, #tpu.memory_space<vmem>>) target(%dma_start3A_4 : memref<5120x768xf32, #tpu.memory_space<hbm>>) offsets(%arg6 : memref<64xi32, #tpu.memory_space<vmem>>) semaphore(%arg8 : memref<!tpu.dma_semaphore, #tpu.memory_space<semaphore_mem>>)
    %dma_wait3A = arith.constant 0 : i32
    %dma_wait3A_5 = arith.constant 0 : i32
    %dma_wait3A_6 = tpu.memref_slice %arg5[%dma_wait3A, %dma_wait3A_5] : memref<5120x768xf32, #tpu.memory_space<hbm>> -> memref<5120x768xf32, #tpu.memory_space<hbm>>
    tpu.wait_indirect_dma semaphore(%arg8 : memref<!tpu.dma_semaphore, #tpu.memory_space<semaphore_mem>>) src(%arg7 : memref<64x768xf32, #tpu.memory_space<vmem>>) dst(%dma_wait3A_6 : memref<5120x768xf32, #tpu.memory_space<hbm>>)
    "tpu.region"() ({
      %run_scoped3A = tpu.sem_alloc : memref<!tpu.dma_semaphore, #tpu.memory_space<semaphore_mem>>
      %dma_start3A_13 = tpu.memref_slice %arg4[%mul3A_2] : memref<2048xi32, #tpu.memory_space<hbm>> -> memref<64xi32, #tpu.memory_space<hbm>>
      %dma_start3A_14 = tpu.memref_slice %arg4[%mul3A_2] : memref<2048xi32, #tpu.memory_space<hbm>> -> memref<64xi32, #tpu.memory_space<hbm>>
      tpu.enqueue_dma source(%dma_start3A_14 : memref<64xi32, #tpu.memory_space<hbm>>) target(%arg6 : memref<64xi32, #tpu.memory_space<vmem>>) target_semaphore(%run_scoped3A : memref<!tpu.dma_semaphore, #tpu.memory_space<semaphore_mem>>)
      %dma_wait3A_15 = tpu.memref_slice %arg4[%mul3A_2] : memref<2048xi32, #tpu.memory_space<hbm>> -> memref<64xi32, #tpu.memory_space<hbm>>
      %dma_wait3A_16 = tpu.memref_slice %arg4[%mul3A_2] : memref<2048xi32, #tpu.memory_space<hbm>> -> memref<64xi32, #tpu.memory_space<hbm>>
      tpu.wait_dma2 semaphore(%run_scoped3A : memref<!tpu.dma_semaphore, #tpu.memory_space<semaphore_mem>>) src(%dma_wait3A_16 : memref<64xi32, #tpu.memory_space<hbm>>) dst(%arg6 : memref<64xi32, #tpu.memory_space<vmem>>)
      tpu.yield
    }) : () -> ()
    %dma_start3A_7 = arith.constant 0 : i32
    %dma_start3A_8 = arith.constant 0 : i32
    %dma_start3A_9 = tpu.memref_slice %arg5[%dma_start3A_7, %dma_start3A_8] : memref<5120x768xf32, #tpu.memory_space<hbm>> -> memref<5120x768xf32, #tpu.memory_space<hbm>>
    tpu.enqueue_indirect_dma source(%arg7 : memref<64x768xf32, #tpu.memory_space<vmem>>) target(%dma_start3A_9 : memref<5120x768xf32, #tpu.memory_space<hbm>>) offsets(%arg6 : memref<64xi32, #tpu.memory_space<vmem>>) semaphore(%arg8 : memref<!tpu.dma_semaphore, #tpu.memory_space<semaphore_mem>>)
    %dma_wait3A_10 = arith.constant 0 : i32
    %dma_wait3A_11 = arith.constant 0 : i32
    %dma_wait3A_12 = tpu.memref_slice %arg5[%dma_wait3A_10, %dma_wait3A_11] : memref<5120x768xf32, #tpu.memory_space<hbm>> -> memref<5120x768xf32, #tpu.memory_space<hbm>>
    tpu.wait_indirect_dma semaphore(%arg8 : memref<!tpu.dma_semaphore, #tpu.memory_space<semaphore_mem>>) src(%arg7 : memref<64x768xf32, #tpu.memory_space<vmem>>) dst(%dma_wait3A_12 : memref<5120x768xf32, #tpu.memory_space<hbm>>)
    return
  }
}

#map = affine_map<(d0, d1) -> (0, 0)>
#map1 = affine_map<(d0, d1) -> (0)>
module attributes {stable_mosaic.version = 14 : i64} {
  func.func @run(%arg0: i32, %arg1: i32, %arg2: memref<5120x768xf32, #tpu.memory_space<hbm>>, %arg3: memref<2048xi32, #tpu.memory_space<hbm>>, %arg4: memref<2048xi32, #tpu.memory_space<hbm>>, %arg5: memref<2048x768xf32, #tpu.memory_space<hbm>>, %arg6: memref<2048x768xf32, #tpu.memory_space<hbm>>, %arg7: memref<64xi32, #tpu.memory_space<vmem>>, %arg8: memref<64x768xf32, #tpu.memory_space<vmem>>, %arg9: memref<!tpu.dma_semaphore, #tpu.memory_space<semaphore_mem>>) attributes {dimension_semantics = [#tpu.dimension_semantics<core_parallel>, #tpu.dimension_semantics<subcore_parallel>], iteration_bounds = array<i64: 2, 16>, scalar_prefetch = 0 : i64, scratch_operands = 3 : i64, tpu.core_type = #tpu.core_type<sc_vector_subcore>, window_params = [{transform_indices = #map}, {transform_indices = #map1}, {transform_indices = #map1}, {transform_indices = #map}, {transform_indices = #map}]} {
    %mul3A = arith.constant 2 : i32
    %mul3A_0 = arith.muli %arg1, %mul3A : i32
    %add3A = arith.addi %mul3A_0, %arg0 : i32
    %mul3A_1 = arith.constant 64 : i32
    %mul3A_2 = arith.muli %add3A, %mul3A_1 : i32
    "tpu.region"() ({
      %run_scoped3A = tpu.sem_alloc : memref<!tpu.dma_semaphore, #tpu.memory_space<semaphore_mem>>
      %dma_start3A_13 = tpu.memref_slice %arg3[%mul3A_2] : memref<2048xi32, #tpu.memory_space<hbm>> -> memref<64xi32, #tpu.memory_space<hbm>>
      %dma_start3A_14 = tpu.memref_slice %arg3[%mul3A_2] : memref<2048xi32, #tpu.memory_space<hbm>> -> memref<64xi32, #tpu.memory_space<hbm>>
      tpu.enqueue_dma source(%dma_start3A_14 : memref<64xi32, #tpu.memory_space<hbm>>) target(%arg7 : memref<64xi32, #tpu.memory_space<vmem>>) target_semaphore(%run_scoped3A : memref<!tpu.dma_semaphore, #tpu.memory_space<semaphore_mem>>)
      %dma_wait3A_15 = tpu.memref_slice %arg3[%mul3A_2] : memref<2048xi32, #tpu.memory_space<hbm>> -> memref<64xi32, #tpu.memory_space<hbm>>
      %dma_wait3A_16 = tpu.memref_slice %arg3[%mul3A_2] : memref<2048xi32, #tpu.memory_space<hbm>> -> memref<64xi32, #tpu.memory_space<hbm>>
      tpu.wait_dma2 semaphore(%run_scoped3A : memref<!tpu.dma_semaphore, #tpu.memory_space<semaphore_mem>>) src(%dma_wait3A_16 : memref<64xi32, #tpu.memory_space<hbm>>) dst(%arg7 : memref<64xi32, #tpu.memory_space<vmem>>)
      tpu.yield
    }) : () -> ()
    %dma_start3A = arith.constant 0 : i32
    %dma_start3A_3 = arith.constant 0 : i32
    %dma_start3A_4 = tpu.memref_slice %arg2[%dma_start3A, %dma_start3A_3] : memref<5120x768xf32, #tpu.memory_space<hbm>> -> memref<5120x768xf32, #tpu.memory_space<hbm>>
    tpu.enqueue_indirect_dma source(%dma_start3A_4 : memref<5120x768xf32, #tpu.memory_space<hbm>>) target(%arg8 : memref<64x768xf32, #tpu.memory_space<vmem>>) offsets(%arg7 : memref<64xi32, #tpu.memory_space<vmem>>) semaphore(%arg9 : memref<!tpu.dma_semaphore, #tpu.memory_space<semaphore_mem>>)
    %dma_wait3A = arith.constant 0 : i32
    %dma_wait3A_5 = arith.constant 0 : i32
    %dma_wait3A_6 = tpu.memref_slice %arg2[%dma_wait3A, %dma_wait3A_5] : memref<5120x768xf32, #tpu.memory_space<hbm>> -> memref<5120x768xf32, #tpu.memory_space<hbm>>
    tpu.wait_indirect_dma semaphore(%arg9 : memref<!tpu.dma_semaphore, #tpu.memory_space<semaphore_mem>>) src(%dma_wait3A_6 : memref<5120x768xf32, #tpu.memory_space<hbm>>) dst(%arg8 : memref<64x768xf32, #tpu.memory_space<vmem>>)
    "tpu.region"() ({
      %run_scoped3A = tpu.sem_alloc : memref<!tpu.dma_semaphore, #tpu.memory_space<semaphore_mem>>
      %dma_start3A_13 = arith.constant 0 : i32
      %dma_start3A_14 = tpu.memref_slice %arg5[%mul3A_2, %dma_start3A_13] : memref<2048x768xf32, #tpu.memory_space<hbm>> -> memref<64x768xf32, #tpu.memory_space<hbm>>
      %dma_start3A_15 = arith.constant 0 : i32
      %dma_start3A_16 = tpu.memref_slice %arg5[%mul3A_2, %dma_start3A_15] : memref<2048x768xf32, #tpu.memory_space<hbm>> -> memref<64x768xf32, #tpu.memory_space<hbm>>
      tpu.enqueue_dma source(%arg8 : memref<64x768xf32, #tpu.memory_space<vmem>>) target(%dma_start3A_16 : memref<64x768xf32, #tpu.memory_space<hbm>>) target_semaphore(%run_scoped3A : memref<!tpu.dma_semaphore, #tpu.memory_space<semaphore_mem>>)
      %dma_wait3A_17 = arith.constant 0 : i32
      %dma_wait3A_18 = tpu.memref_slice %arg5[%mul3A_2, %dma_wait3A_17] : memref<2048x768xf32, #tpu.memory_space<hbm>> -> memref<64x768xf32, #tpu.memory_space<hbm>>
      %dma_wait3A_19 = arith.constant 0 : i32
      %dma_wait3A_20 = tpu.memref_slice %arg5[%mul3A_2, %dma_wait3A_19] : memref<2048x768xf32, #tpu.memory_space<hbm>> -> memref<64x768xf32, #tpu.memory_space<hbm>>
      tpu.wait_dma2 semaphore(%run_scoped3A : memref<!tpu.dma_semaphore, #tpu.memory_space<semaphore_mem>>) src(%arg8 : memref<64x768xf32, #tpu.memory_space<vmem>>) dst(%dma_wait3A_20 : memref<64x768xf32, #tpu.memory_space<hbm>>)
      tpu.yield
    }) : () -> ()
    "tpu.region"() ({
      %run_scoped3A = tpu.sem_alloc : memref<!tpu.dma_semaphore, #tpu.memory_space<semaphore_mem>>
      %dma_start3A_13 = tpu.memref_slice %arg4[%mul3A_2] : memref<2048xi32, #tpu.memory_space<hbm>> -> memref<64xi32, #tpu.memory_space<hbm>>
      %dma_start3A_14 = tpu.memref_slice %arg4[%mul3A_2] : memref<2048xi32, #tpu.memory_space<hbm>> -> memref<64xi32, #tpu.memory_space<hbm>>
      tpu.enqueue_dma source(%dma_start3A_14 : memref<64xi32, #tpu.memory_space<hbm>>) target(%arg7 : memref<64xi32, #tpu.memory_space<vmem>>) target_semaphore(%run_scoped3A : memref<!tpu.dma_semaphore, #tpu.memory_space<semaphore_mem>>)
      %dma_wait3A_15 = tpu.memref_slice %arg4[%mul3A_2] : memref<2048xi32, #tpu.memory_space<hbm>> -> memref<64xi32, #tpu.memory_space<hbm>>
      %dma_wait3A_16 = tpu.memref_slice %arg4[%mul3A_2] : memref<2048xi32, #tpu.memory_space<hbm>> -> memref<64xi32, #tpu.memory_space<hbm>>
      tpu.wait_dma2 semaphore(%run_scoped3A : memref<!tpu.dma_semaphore, #tpu.memory_space<semaphore_mem>>) src(%dma_wait3A_16 : memref<64xi32, #tpu.memory_space<hbm>>) dst(%arg7 : memref<64xi32, #tpu.memory_space<vmem>>)
      tpu.yield
    }) : () -> ()
    %dma_start3A_7 = arith.constant 0 : i32
    %dma_start3A_8 = arith.constant 0 : i32
    %dma_start3A_9 = tpu.memref_slice %arg2[%dma_start3A_7, %dma_start3A_8] : memref<5120x768xf32, #tpu.memory_space<hbm>> -> memref<5120x768xf32, #tpu.memory_space<hbm>>
    tpu.enqueue_indirect_dma source(%dma_start3A_9 : memref<5120x768xf32, #tpu.memory_space<hbm>>) target(%arg8 : memref<64x768xf32, #tpu.memory_space<vmem>>) offsets(%arg7 : memref<64xi32, #tpu.memory_space<vmem>>) semaphore(%arg9 : memref<!tpu.dma_semaphore, #tpu.memory_space<semaphore_mem>>)
    %dma_wait3A_10 = arith.constant 0 : i32
    %dma_wait3A_11 = arith.constant 0 : i32
    %dma_wait3A_12 = tpu.memref_slice %arg2[%dma_wait3A_10, %dma_wait3A_11] : memref<5120x768xf32, #tpu.memory_space<hbm>> -> memref<5120x768xf32, #tpu.memory_space<hbm>>
    tpu.wait_indirect_dma semaphore(%arg9 : memref<!tpu.dma_semaphore, #tpu.memory_space<semaphore_mem>>) src(%dma_wait3A_12 : memref<5120x768xf32, #tpu.memory_space<hbm>>) dst(%arg8 : memref<64x768xf32, #tpu.memory_space<vmem>>)
    "tpu.region"() ({
      %run_scoped3A = tpu.sem_alloc : memref<!tpu.dma_semaphore, #tpu.memory_space<semaphore_mem>>
      %dma_start3A_13 = arith.constant 0 : i32
      %dma_start3A_14 = tpu.memref_slice %arg6[%mul3A_2, %dma_start3A_13] : memref<2048x768xf32, #tpu.memory_space<hbm>> -> memref<64x768xf32, #tpu.memory_space<hbm>>
      %dma_start3A_15 = arith.constant 0 : i32
      %dma_start3A_16 = tpu.memref_slice %arg6[%mul3A_2, %dma_start3A_15] : memref<2048x768xf32, #tpu.memory_space<hbm>> -> memref<64x768xf32, #tpu.memory_space<hbm>>
      tpu.enqueue_dma source(%arg8 : memref<64x768xf32, #tpu.memory_space<vmem>>) target(%dma_start3A_16 : memref<64x768xf32, #tpu.memory_space<hbm>>) target_semaphore(%run_scoped3A : memref<!tpu.dma_semaphore, #tpu.memory_space<semaphore_mem>>)
      %dma_wait3A_17 = arith.constant 0 : i32
      %dma_wait3A_18 = tpu.memref_slice %arg6[%mul3A_2, %dma_wait3A_17] : memref<2048x768xf32, #tpu.memory_space<hbm>> -> memref<64x768xf32, #tpu.memory_space<hbm>>
      %dma_wait3A_19 = arith.constant 0 : i32
      %dma_wait3A_20 = tpu.memref_slice %arg6[%mul3A_2, %dma_wait3A_19] : memref<2048x768xf32, #tpu.memory_space<hbm>> -> memref<64x768xf32, #tpu.memory_space<hbm>>
      tpu.wait_dma2 semaphore(%run_scoped3A : memref<!tpu.dma_semaphore, #tpu.memory_space<semaphore_mem>>) src(%arg8 : memref<64x768xf32, #tpu.memory_space<vmem>>) dst(%dma_wait3A_20 : memref<64x768xf32, #tpu.memory_space<hbm>>)
      tpu.yield
    }) : () -> ()
    return
  }
}

module attributes {stable_mosaic.version = 14 : i64} {
  func.func @_prep_body(%arg0: i32, %arg1: memref<256x768xf32, #tpu.memory_space<vmem>>, %arg2: memref<256x256xf32, #tpu.memory_space<vmem>>, %arg3: memref<256x32xf32, #tpu.memory_space<vmem>>, %arg4: memref<256x32xf32, #tpu.memory_space<vmem>>, %arg5: memref<768x768xf32, #tpu.memory_space<vmem>>, %arg6: memref<768x256xf32, #tpu.memory_space<vmem>>, %arg7: memref<768x256xf32, #tpu.memory_space<vmem>>, %arg8: memref<32x4xf32, #tpu.memory_space<vmem>>, %arg9: memref<12x256x64xbf16, #tpu.memory_space<vmem>>, %arg10: memref<4x256x64xbf16, #tpu.memory_space<vmem>>, %arg11: memref<4x256x64xbf16, #tpu.memory_space<vmem>>) attributes {dimension_semantics = [#tpu.dimension_semantics<arbitrary>], iteration_bounds = array<i64: 8>, scalar_prefetch = 0 : i64, scratch_operands = 0 : i64, tpu.core_type = #tpu.core_type<tc>, window_params = [{transform_indices = @transform_0, window_bounds = array<i64: 256, 768>}, {transform_indices = @transform_1, window_bounds = array<i64: 256, 256>}, {transform_indices = @transform_2, window_bounds = array<i64: 256, 32>}, {transform_indices = @transform_3, window_bounds = array<i64: 256, 32>}, {pipeline_mode = #tpu.pipeline_mode<synchronous>, transform_indices = @transform_4, window_bounds = array<i64: 768, 768>}, {pipeline_mode = #tpu.pipeline_mode<synchronous>, transform_indices = @transform_5, window_bounds = array<i64: 768, 256>}, {pipeline_mode = #tpu.pipeline_mode<synchronous>, transform_indices = @transform_6, window_bounds = array<i64: 768, 256>}, {pipeline_mode = #tpu.pipeline_mode<synchronous>, transform_indices = @transform_7, window_bounds = array<i64: 32, 4>}, {transform_indices = @transform_8, window_bounds = array<i64: 12, 256, 64>}, {transform_indices = @transform_9, window_bounds = array<i64: 4, 256, 64>}, {transform_indices = @transform_10, window_bounds = array<i64: 4, 256, 64>}]} {
    %get3A = arith.constant 0 : index
    %get3A_0 = arith.constant 0 : index
    %get3A_1 = vector.load %arg1[%get3A, %get3A_0] : memref<256x768xf32, #tpu.memory_space<vmem>>, vector<256x768xf32>
    %square3A = arith.mulf %get3A_1, %get3A_1 : vector<256x768xf32>
    %reduce_sum3A = arith.constant dense<0.000000e+00> : vector<256xf32>
    %reduce_sum3A_2 = vector.multi_reduction <add>, %square3A, %reduce_sum3A [1] : vector<256x768xf32> to vector<256xf32>
    %broadcast_in_dim3A = vector.shape_cast %reduce_sum3A_2 : vector<256xf32> to vector<256x1xf32>
    %div3A = arith.constant 7.680000e+02 : f32
    %div3A_3 = vector.broadcast %div3A : f32 to vector<256x1xf32>
    %div3A_4 = arith.divf %broadcast_in_dim3A, %div3A_3 : vector<256x1xf32>
    %add3A = arith.constant 1.1920929E-7 : f32
    %add3A_5 = vector.broadcast %add3A : f32 to vector<256x1xf32>
    %add3A_6 = arith.addf %div3A_4, %add3A_5 : vector<256x1xf32>
    %rsqrt3A = math.rsqrt %add3A_6 : vector<256x1xf32>
    %mul3A = vector.broadcast %rsqrt3A : vector<256x1xf32> to vector<256x768xf32>
    %mul3A_7 = arith.mulf %get3A_1, %mul3A : vector<256x768xf32>
    %get3A_8 = arith.constant 0 : index
    %get3A_9 = arith.constant 0 : index
    %get3A_10 = vector.load %arg5[%get3A_8, %get3A_9] : memref<768x768xf32, #tpu.memory_space<vmem>>, vector<768x768xf32>
    %dot_general3A = arith.constant dense<0.000000e+00> : vector<256x768xf32>
    %dot_general3A_11 = tpu.matmul %mul3A_7, %get3A_10, %dot_general3A {dimension_numbers = #tpu.dot_dimension_numbers<[1], [0], [0], [1], [0, 0, 1, 1], [], []>, transpose_lhs_hint = false} : vector<256x768xf32>, vector<768x768xf32>, vector<256x768xf32> -> vector<256x768xf32>
    %get3A_12 = arith.constant 0 : index
    %get3A_13 = arith.constant 0 : index
    %get3A_14 = vector.load %arg6[%get3A_12, %get3A_13] : memref<768x256xf32, #tpu.memory_space<vmem>>, vector<768x256xf32>
    %dot_general3A_15 = arith.constant dense<0.000000e+00> : vector<256x256xf32>
    %dot_general3A_16 = tpu.matmul %mul3A_7, %get3A_14, %dot_general3A_15 {dimension_numbers = #tpu.dot_dimension_numbers<[1], [0], [0], [1], [0, 0, 1, 1], [], []>, transpose_lhs_hint = false} : vector<256x768xf32>, vector<768x256xf32>, vector<256x256xf32> -> vector<256x256xf32>
    %get3A_17 = arith.constant 0 : index
    %get3A_18 = arith.constant 0 : index
    %get3A_19 = vector.load %arg7[%get3A_17, %get3A_18] : memref<768x256xf32, #tpu.memory_space<vmem>>, vector<768x256xf32>
    %dot_general3A_20 = arith.constant dense<0.000000e+00> : vector<256x256xf32>
    %dot_general3A_21 = tpu.matmul %mul3A_7, %get3A_19, %dot_general3A_20 {dimension_numbers = #tpu.dot_dimension_numbers<[1], [0], [0], [1], [0, 0, 1, 1], [], []>, transpose_lhs_hint = false} : vector<256x768xf32>, vector<768x256xf32>, vector<256x256xf32> -> vector<256x256xf32>
    %slice3A = vector.extract_strided_slice %mul3A_7 {offsets = [0, 0], sizes = [256, 32], strides = [1, 1]} : vector<256x768xf32> to vector<256x32xf32>
    %get3A_22 = arith.constant 0 : index
    %get3A_23 = arith.constant 0 : index
    %get3A_24 = vector.load %arg8[%get3A_22, %get3A_23] : memref<32x4xf32, #tpu.memory_space<vmem>>, vector<32x4xf32>
    %dot_general3A_25 = arith.constant dense<0.000000e+00> : vector<256x4xf32>
    %dot_general3A_26 = tpu.matmul %slice3A, %get3A_24, %dot_general3A_25 {dimension_numbers = #tpu.dot_dimension_numbers<[1], [0], [0], [1], [0, 0, 1, 1], [], []>, transpose_lhs_hint = false} : vector<256x32xf32>, vector<32x4xf32>, vector<256x4xf32> -> vector<256x4xf32>
    %logistic3A = arith.negf %dot_general3A_26 : vector<256x4xf32>
    %logistic3A_27 = math.exp %logistic3A : vector<256x4xf32>
    %logistic3A_28 = arith.constant 1.000000e+00 : f32
    %logistic3A_29 = vector.broadcast %logistic3A_28 : f32 to vector<256x4xf32>
    %logistic3A_30 = arith.addf %logistic3A_29, %logistic3A_27 : vector<256x4xf32>
    %logistic3A_31 = arith.divf %logistic3A_29, %logistic3A_30 : vector<256x4xf32>
    %mul3A_32 = arith.constant 2.000000e+00 : f32
    %mul3A_33 = vector.broadcast %mul3A_32 : f32 to vector<256x4xf32>
    %mul3A_34 = arith.mulf %mul3A_33, %logistic3A_31 : vector<256x4xf32>
    %get3A_35 = arith.constant 0 : index
    %get3A_36 = arith.constant 0 : index
    %get3A_37 = vector.load %arg3[%get3A_35, %get3A_36] : memref<256x32xf32, #tpu.memory_space<vmem>>, vector<256x32xf32>
    %get3A_38 = arith.constant 0 : index
    %get3A_39 = arith.constant 0 : index
    %get3A_40 = vector.load %arg4[%get3A_38, %get3A_39] : memref<256x32xf32, #tpu.memory_space<vmem>>, vector<256x32xf32>
    %slice3A_41 = vector.extract_strided_slice %dot_general3A_11 {offsets = [0, 0], sizes = [256, 32], strides = [1, 1]} : vector<256x768xf32> to vector<256x32xf32>
    %slice3A_42 = vector.extract_strided_slice %dot_general3A_11 {offsets = [0, 32], sizes = [256, 32], strides = [1, 1]} : vector<256x768xf32> to vector<256x32xf32>
    %mul3A_43 = arith.mulf %slice3A_41, %get3A_37 : vector<256x32xf32>
    %mul3A_44 = arith.mulf %slice3A_42, %get3A_40 : vector<256x32xf32>
    %add3A_45 = arith.addf %mul3A_43, %mul3A_44 : vector<256x32xf32>
    %mul3A_46 = arith.mulf %slice3A_42, %get3A_37 : vector<256x32xf32>
    %mul3A_47 = arith.mulf %slice3A_41, %get3A_40 : vector<256x32xf32>
    %sub3A = arith.subf %mul3A_46, %mul3A_47 : vector<256x32xf32>
    %concatenate3A = tpu.concatenate %add3A_45, %sub3A in 1 : vector<256x32xf32>, vector<256x32xf32> -> vector<256x64xf32>
    %mul3A_48 = arith.mulf %concatenate3A, %concatenate3A : vector<256x64xf32>
    %reduce_sum3A_49 = arith.constant dense<0.000000e+00> : vector<256xf32>
    %reduce_sum3A_50 = vector.multi_reduction <add>, %mul3A_48, %reduce_sum3A_49 [1] : vector<256x64xf32> to vector<256xf32>
    %broadcast_in_dim3A_51 = vector.shape_cast %reduce_sum3A_50 : vector<256xf32> to vector<256x1xf32>
    %div3A_52 = arith.constant 6.400000e+01 : f32
    %div3A_53 = vector.broadcast %div3A_52 : f32 to vector<256x1xf32>
    %div3A_54 = arith.divf %broadcast_in_dim3A_51, %div3A_53 : vector<256x1xf32>
    %add3A_55 = arith.constant 1.1920929E-7 : f32
    %add3A_56 = vector.broadcast %add3A_55 : f32 to vector<256x1xf32>
    %add3A_57 = arith.addf %div3A_54, %add3A_56 : vector<256x1xf32>
    %rsqrt3A_58 = math.rsqrt %add3A_57 : vector<256x1xf32>
    %mul3A_59 = vector.broadcast %rsqrt3A_58 : vector<256x1xf32> to vector<256x64xf32>
    %mul3A_60 = arith.mulf %concatenate3A, %mul3A_59 : vector<256x64xf32>
    %mul3A_61 = arith.constant 1.250000e-01 : f32
    %mul3A_62 = vector.broadcast %mul3A_61 : f32 to vector<256x64xf32>
    %mul3A_63 = arith.mulf %mul3A_60, %mul3A_62 : vector<256x64xf32>
    %slice3A_64 = vector.extract_strided_slice %dot_general3A_11 {offsets = [0, 64], sizes = [256, 32], strides = [1, 1]} : vector<256x768xf32> to vector<256x32xf32>
    %slice3A_65 = vector.extract_strided_slice %dot_general3A_11 {offsets = [0, 96], sizes = [256, 32], strides = [1, 1]} : vector<256x768xf32> to vector<256x32xf32>
    %mul3A_66 = arith.mulf %slice3A_64, %get3A_37 : vector<256x32xf32>
    %mul3A_67 = arith.mulf %slice3A_65, %get3A_40 : vector<256x32xf32>
    %add3A_68 = arith.addf %mul3A_66, %mul3A_67 : vector<256x32xf32>
    %mul3A_69 = arith.mulf %slice3A_65, %get3A_37 : vector<256x32xf32>
    %mul3A_70 = arith.mulf %slice3A_64, %get3A_40 : vector<256x32xf32>
    %sub3A_71 = arith.subf %mul3A_69, %mul3A_70 : vector<256x32xf32>
    %concatenate3A_72 = tpu.concatenate %add3A_68, %sub3A_71 in 1 : vector<256x32xf32>, vector<256x32xf32> -> vector<256x64xf32>
    %mul3A_73 = arith.mulf %concatenate3A_72, %concatenate3A_72 : vector<256x64xf32>
    %reduce_sum3A_74 = arith.constant dense<0.000000e+00> : vector<256xf32>
    %reduce_sum3A_75 = vector.multi_reduction <add>, %mul3A_73, %reduce_sum3A_74 [1] : vector<256x64xf32> to vector<256xf32>
    %broadcast_in_dim3A_76 = vector.shape_cast %reduce_sum3A_75 : vector<256xf32> to vector<256x1xf32>
    %div3A_77 = arith.constant 6.400000e+01 : f32
    %div3A_78 = vector.broadcast %div3A_77 : f32 to vector<256x1xf32>
    %div3A_79 = arith.divf %broadcast_in_dim3A_76, %div3A_78 : vector<256x1xf32>
    %add3A_80 = arith.constant 1.1920929E-7 : f32
    %add3A_81 = vector.broadcast %add3A_80 : f32 to vector<256x1xf32>
    %add3A_82 = arith.addf %div3A_79, %add3A_81 : vector<256x1xf32>
    %rsqrt3A_83 = math.rsqrt %add3A_82 : vector<256x1xf32>
    %mul3A_84 = vector.broadcast %rsqrt3A_83 : vector<256x1xf32> to vector<256x64xf32>
    %mul3A_85 = arith.mulf %concatenate3A_72, %mul3A_84 : vector<256x64xf32>
    %mul3A_86 = arith.constant 1.250000e-01 : f32
    %mul3A_87 = vector.broadcast %mul3A_86 : f32 to vector<256x64xf32>
    %mul3A_88 = arith.mulf %mul3A_85, %mul3A_87 : vector<256x64xf32>
    %slice3A_89 = vector.extract_strided_slice %dot_general3A_11 {offsets = [0, 128], sizes = [256, 32], strides = [1, 1]} : vector<256x768xf32> to vector<256x32xf32>
    %slice3A_90 = vector.extract_strided_slice %dot_general3A_11 {offsets = [0, 160], sizes = [256, 32], strides = [1, 1]} : vector<256x768xf32> to vector<256x32xf32>
    %mul3A_91 = arith.mulf %slice3A_89, %get3A_37 : vector<256x32xf32>
    %mul3A_92 = arith.mulf %slice3A_90, %get3A_40 : vector<256x32xf32>
    %add3A_93 = arith.addf %mul3A_91, %mul3A_92 : vector<256x32xf32>
    %mul3A_94 = arith.mulf %slice3A_90, %get3A_37 : vector<256x32xf32>
    %mul3A_95 = arith.mulf %slice3A_89, %get3A_40 : vector<256x32xf32>
    %sub3A_96 = arith.subf %mul3A_94, %mul3A_95 : vector<256x32xf32>
    %concatenate3A_97 = tpu.concatenate %add3A_93, %sub3A_96 in 1 : vector<256x32xf32>, vector<256x32xf32> -> vector<256x64xf32>
    %mul3A_98 = arith.mulf %concatenate3A_97, %concatenate3A_97 : vector<256x64xf32>
    %reduce_sum3A_99 = arith.constant dense<0.000000e+00> : vector<256xf32>
    %reduce_sum3A_100 = vector.multi_reduction <add>, %mul3A_98, %reduce_sum3A_99 [1] : vector<256x64xf32> to vector<256xf32>
    %broadcast_in_dim3A_101 = vector.shape_cast %reduce_sum3A_100 : vector<256xf32> to vector<256x1xf32>
    %div3A_102 = arith.constant 6.400000e+01 : f32
    %div3A_103 = vector.broadcast %div3A_102 : f32 to vector<256x1xf32>
    %div3A_104 = arith.divf %broadcast_in_dim3A_101, %div3A_103 : vector<256x1xf32>
    %add3A_105 = arith.constant 1.1920929E-7 : f32
    %add3A_106 = vector.broadcast %add3A_105 : f32 to vector<256x1xf32>
    %add3A_107 = arith.addf %div3A_104, %add3A_106 : vector<256x1xf32>
    %rsqrt3A_108 = math.rsqrt %add3A_107 : vector<256x1xf32>
    %mul3A_109 = vector.broadcast %rsqrt3A_108 : vector<256x1xf32> to vector<256x64xf32>
    %mul3A_110 = arith.mulf %concatenate3A_97, %mul3A_109 : vector<256x64xf32>
    %mul3A_111 = arith.constant 1.250000e-01 : f32
    %mul3A_112 = vector.broadcast %mul3A_111 : f32 to vector<256x64xf32>
    %mul3A_113 = arith.mulf %mul3A_110, %mul3A_112 : vector<256x64xf32>
    %slice3A_114 = vector.extract_strided_slice %dot_general3A_11 {offsets = [0, 192], sizes = [256, 32], strides = [1, 1]} : vector<256x768xf32> to vector<256x32xf32>
    %slice3A_115 = vector.extract_strided_slice %dot_general3A_11 {offsets = [0, 224], sizes = [256, 32], strides = [1, 1]} : vector<256x768xf32> to vector<256x32xf32>
    %mul3A_116 = arith.mulf %slice3A_114, %get3A_37 : vector<256x32xf32>
    %mul3A_117 = arith.mulf %slice3A_115, %get3A_40 : vector<256x32xf32>
    %add3A_118 = arith.addf %mul3A_116, %mul3A_117 : vector<256x32xf32>
    %mul3A_119 = arith.mulf %slice3A_115, %get3A_37 : vector<256x32xf32>
    %mul3A_120 = arith.mulf %slice3A_114, %get3A_40 : vector<256x32xf32>
    %sub3A_121 = arith.subf %mul3A_119, %mul3A_120 : vector<256x32xf32>
    %concatenate3A_122 = tpu.concatenate %add3A_118, %sub3A_121 in 1 : vector<256x32xf32>, vector<256x32xf32> -> vector<256x64xf32>
    %mul3A_123 = arith.mulf %concatenate3A_122, %concatenate3A_122 : vector<256x64xf32>
    %reduce_sum3A_124 = arith.constant dense<0.000000e+00> : vector<256xf32>
    %reduce_sum3A_125 = vector.multi_reduction <add>, %mul3A_123, %reduce_sum3A_124 [1] : vector<256x64xf32> to vector<256xf32>
    %broadcast_in_dim3A_126 = vector.shape_cast %reduce_sum3A_125 : vector<256xf32> to vector<256x1xf32>
    %div3A_127 = arith.constant 6.400000e+01 : f32
    %div3A_128 = vector.broadcast %div3A_127 : f32 to vector<256x1xf32>
    %div3A_129 = arith.divf %broadcast_in_dim3A_126, %div3A_128 : vector<256x1xf32>
    %add3A_130 = arith.constant 1.1920929E-7 : f32
    %add3A_131 = vector.broadcast %add3A_130 : f32 to vector<256x1xf32>
    %add3A_132 = arith.addf %div3A_129, %add3A_131 : vector<256x1xf32>
    %rsqrt3A_133 = math.rsqrt %add3A_132 : vector<256x1xf32>
    %mul3A_134 = vector.broadcast %rsqrt3A_133 : vector<256x1xf32> to vector<256x64xf32>
    %mul3A_135 = arith.mulf %concatenate3A_122, %mul3A_134 : vector<256x64xf32>
    %mul3A_136 = arith.constant 1.250000e-01 : f32
    %mul3A_137 = vector.broadcast %mul3A_136 : f32 to vector<256x64xf32>
    %mul3A_138 = arith.mulf %mul3A_135, %mul3A_137 : vector<256x64xf32>
    %slice3A_139 = vector.extract_strided_slice %dot_general3A_11 {offsets = [0, 256], sizes = [256, 32], strides = [1, 1]} : vector<256x768xf32> to vector<256x32xf32>
    %slice3A_140 = vector.extract_strided_slice %dot_general3A_11 {offsets = [0, 288], sizes = [256, 32], strides = [1, 1]} : vector<256x768xf32> to vector<256x32xf32>
    %mul3A_141 = arith.mulf %slice3A_139, %get3A_37 : vector<256x32xf32>
    %mul3A_142 = arith.mulf %slice3A_140, %get3A_40 : vector<256x32xf32>
    %add3A_143 = arith.addf %mul3A_141, %mul3A_142 : vector<256x32xf32>
    %mul3A_144 = arith.mulf %slice3A_140, %get3A_37 : vector<256x32xf32>
    %mul3A_145 = arith.mulf %slice3A_139, %get3A_40 : vector<256x32xf32>
    %sub3A_146 = arith.subf %mul3A_144, %mul3A_145 : vector<256x32xf32>
    %concatenate3A_147 = tpu.concatenate %add3A_143, %sub3A_146 in 1 : vector<256x32xf32>, vector<256x32xf32> -> vector<256x64xf32>
    %mul3A_148 = arith.mulf %concatenate3A_147, %concatenate3A_147 : vector<256x64xf32>
    %reduce_sum3A_149 = arith.constant dense<0.000000e+00> : vector<256xf32>
    %reduce_sum3A_150 = vector.multi_reduction <add>, %mul3A_148, %reduce_sum3A_149 [1] : vector<256x64xf32> to vector<256xf32>
    %broadcast_in_dim3A_151 = vector.shape_cast %reduce_sum3A_150 : vector<256xf32> to vector<256x1xf32>
    %div3A_152 = arith.constant 6.400000e+01 : f32
    %div3A_153 = vector.broadcast %div3A_152 : f32 to vector<256x1xf32>
    %div3A_154 = arith.divf %broadcast_in_dim3A_151, %div3A_153 : vector<256x1xf32>
    %add3A_155 = arith.constant 1.1920929E-7 : f32
    %add3A_156 = vector.broadcast %add3A_155 : f32 to vector<256x1xf32>
    %add3A_157 = arith.addf %div3A_154, %add3A_156 : vector<256x1xf32>
    %rsqrt3A_158 = math.rsqrt %add3A_157 : vector<256x1xf32>
    %mul3A_159 = vector.broadcast %rsqrt3A_158 : vector<256x1xf32> to vector<256x64xf32>
    %mul3A_160 = arith.mulf %concatenate3A_147, %mul3A_159 : vector<256x64xf32>
    %mul3A_161 = arith.constant 1.250000e-01 : f32
    %mul3A_162 = vector.broadcast %mul3A_161 : f32 to vector<256x64xf32>
    %mul3A_163 = arith.mulf %mul3A_160, %mul3A_162 : vector<256x64xf32>
    %slice3A_164 = vector.extract_strided_slice %dot_general3A_11 {offsets = [0, 320], sizes = [256, 32], strides = [1, 1]} : vector<256x768xf32> to vector<256x32xf32>
    %slice3A_165 = vector.extract_strided_slice %dot_general3A_11 {offsets = [0, 352], sizes = [256, 32], strides = [1, 1]} : vector<256x768xf32> to vector<256x32xf32>
    %mul3A_166 = arith.mulf %slice3A_164, %get3A_37 : vector<256x32xf32>
    %mul3A_167 = arith.mulf %slice3A_165, %get3A_40 : vector<256x32xf32>
    %add3A_168 = arith.addf %mul3A_166, %mul3A_167 : vector<256x32xf32>
    %mul3A_169 = arith.mulf %slice3A_165, %get3A_37 : vector<256x32xf32>
    %mul3A_170 = arith.mulf %slice3A_164, %get3A_40 : vector<256x32xf32>
    %sub3A_171 = arith.subf %mul3A_169, %mul3A_170 : vector<256x32xf32>
    %concatenate3A_172 = tpu.concatenate %add3A_168, %sub3A_171 in 1 : vector<256x32xf32>, vector<256x32xf32> -> vector<256x64xf32>
    %mul3A_173 = arith.mulf %concatenate3A_172, %concatenate3A_172 : vector<256x64xf32>
    %reduce_sum3A_174 = arith.constant dense<0.000000e+00> : vector<256xf32>
    %reduce_sum3A_175 = vector.multi_reduction <add>, %mul3A_173, %reduce_sum3A_174 [1] : vector<256x64xf32> to vector<256xf32>
    %broadcast_in_dim3A_176 = vector.shape_cast %reduce_sum3A_175 : vector<256xf32> to vector<256x1xf32>
    %div3A_177 = arith.constant 6.400000e+01 : f32
    %div3A_178 = vector.broadcast %div3A_177 : f32 to vector<256x1xf32>
    %div3A_179 = arith.divf %broadcast_in_dim3A_176, %div3A_178 : vector<256x1xf32>
    %add3A_180 = arith.constant 1.1920929E-7 : f32
    %add3A_181 = vector.broadcast %add3A_180 : f32 to vector<256x1xf32>
    %add3A_182 = arith.addf %div3A_179, %add3A_181 : vector<256x1xf32>
    %rsqrt3A_183 = math.rsqrt %add3A_182 : vector<256x1xf32>
    %mul3A_184 = vector.broadcast %rsqrt3A_183 : vector<256x1xf32> to vector<256x64xf32>
    %mul3A_185 = arith.mulf %concatenate3A_172, %mul3A_184 : vector<256x64xf32>
    %mul3A_186 = arith.constant 1.250000e-01 : f32
    %mul3A_187 = vector.broadcast %mul3A_186 : f32 to vector<256x64xf32>
    %mul3A_188 = arith.mulf %mul3A_185, %mul3A_187 : vector<256x64xf32>
    %slice3A_189 = vector.extract_strided_slice %dot_general3A_11 {offsets = [0, 384], sizes = [256, 32], strides = [1, 1]} : vector<256x768xf32> to vector<256x32xf32>
    %slice3A_190 = vector.extract_strided_slice %dot_general3A_11 {offsets = [0, 416], sizes = [256, 32], strides = [1, 1]} : vector<256x768xf32> to vector<256x32xf32>
    %mul3A_191 = arith.mulf %slice3A_189, %get3A_37 : vector<256x32xf32>
    %mul3A_192 = arith.mulf %slice3A_190, %get3A_40 : vector<256x32xf32>
    %add3A_193 = arith.addf %mul3A_191, %mul3A_192 : vector<256x32xf32>
    %mul3A_194 = arith.mulf %slice3A_190, %get3A_37 : vector<256x32xf32>
    %mul3A_195 = arith.mulf %slice3A_189, %get3A_40 : vector<256x32xf32>
    %sub3A_196 = arith.subf %mul3A_194, %mul3A_195 : vector<256x32xf32>
    %concatenate3A_197 = tpu.concatenate %add3A_193, %sub3A_196 in 1 : vector<256x32xf32>, vector<256x32xf32> -> vector<256x64xf32>
    %mul3A_198 = arith.mulf %concatenate3A_197, %concatenate3A_197 : vector<256x64xf32>
    %reduce_sum3A_199 = arith.constant dense<0.000000e+00> : vector<256xf32>
    %reduce_sum3A_200 = vector.multi_reduction <add>, %mul3A_198, %reduce_sum3A_199 [1] : vector<256x64xf32> to vector<256xf32>
    %broadcast_in_dim3A_201 = vector.shape_cast %reduce_sum3A_200 : vector<256xf32> to vector<256x1xf32>
    %div3A_202 = arith.constant 6.400000e+01 : f32
    %div3A_203 = vector.broadcast %div3A_202 : f32 to vector<256x1xf32>
    %div3A_204 = arith.divf %broadcast_in_dim3A_201, %div3A_203 : vector<256x1xf32>
    %add3A_205 = arith.constant 1.1920929E-7 : f32
    %add3A_206 = vector.broadcast %add3A_205 : f32 to vector<256x1xf32>
    %add3A_207 = arith.addf %div3A_204, %add3A_206 : vector<256x1xf32>
    %rsqrt3A_208 = math.rsqrt %add3A_207 : vector<256x1xf32>
    %mul3A_209 = vector.broadcast %rsqrt3A_208 : vector<256x1xf32> to vector<256x64xf32>
    %mul3A_210 = arith.mulf %concatenate3A_197, %mul3A_209 : vector<256x64xf32>
    %mul3A_211 = arith.constant 1.250000e-01 : f32
    %mul3A_212 = vector.broadcast %mul3A_211 : f32 to vector<256x64xf32>
    %mul3A_213 = arith.mulf %mul3A_210, %mul3A_212 : vector<256x64xf32>
    %slice3A_214 = vector.extract_strided_slice %dot_general3A_11 {offsets = [0, 448], sizes = [256, 32], strides = [1, 1]} : vector<256x768xf32> to vector<256x32xf32>
    %slice3A_215 = vector.extract_strided_slice %dot_general3A_11 {offsets = [0, 480], sizes = [256, 32], strides = [1, 1]} : vector<256x768xf32> to vector<256x32xf32>
    %mul3A_216 = arith.mulf %slice3A_214, %get3A_37 : vector<256x32xf32>
    %mul3A_217 = arith.mulf %slice3A_215, %get3A_40 : vector<256x32xf32>
    %add3A_218 = arith.addf %mul3A_216, %mul3A_217 : vector<256x32xf32>
    %mul3A_219 = arith.mulf %slice3A_215, %get3A_37 : vector<256x32xf32>
    %mul3A_220 = arith.mulf %slice3A_214, %get3A_40 : vector<256x32xf32>
    %sub3A_221 = arith.subf %mul3A_219, %mul3A_220 : vector<256x32xf32>
    %concatenate3A_222 = tpu.concatenate %add3A_218, %sub3A_221 in 1 : vector<256x32xf32>, vector<256x32xf32> -> vector<256x64xf32>
    %mul3A_223 = arith.mulf %concatenate3A_222, %concatenate3A_222 : vector<256x64xf32>
    %reduce_sum3A_224 = arith.constant dense<0.000000e+00> : vector<256xf32>
    %reduce_sum3A_225 = vector.multi_reduction <add>, %mul3A_223, %reduce_sum3A_224 [1] : vector<256x64xf32> to vector<256xf32>
    %broadcast_in_dim3A_226 = vector.shape_cast %reduce_sum3A_225 : vector<256xf32> to vector<256x1xf32>
    %div3A_227 = arith.constant 6.400000e+01 : f32
    %div3A_228 = vector.broadcast %div3A_227 : f32 to vector<256x1xf32>
    %div3A_229 = arith.divf %broadcast_in_dim3A_226, %div3A_228 : vector<256x1xf32>
    %add3A_230 = arith.constant 1.1920929E-7 : f32
    %add3A_231 = vector.broadcast %add3A_230 : f32 to vector<256x1xf32>
    %add3A_232 = arith.addf %div3A_229, %add3A_231 : vector<256x1xf32>
    %rsqrt3A_233 = math.rsqrt %add3A_232 : vector<256x1xf32>
    %mul3A_234 = vector.broadcast %rsqrt3A_233 : vector<256x1xf32> to vector<256x64xf32>
    %mul3A_235 = arith.mulf %concatenate3A_222, %mul3A_234 : vector<256x64xf32>
    %mul3A_236 = arith.constant 1.250000e-01 : f32
    %mul3A_237 = vector.broadcast %mul3A_236 : f32 to vector<256x64xf32>
    %mul3A_238 = arith.mulf %mul3A_235, %mul3A_237 : vector<256x64xf32>
    %slice3A_239 = vector.extract_strided_slice %dot_general3A_11 {offsets = [0, 512], sizes = [256, 32], strides = [1, 1]} : vector<256x768xf32> to vector<256x32xf32>
    %slice3A_240 = vector.extract_strided_slice %dot_general3A_11 {offsets = [0, 544], sizes = [256, 32], strides = [1, 1]} : vector<256x768xf32> to vector<256x32xf32>
    %mul3A_241 = arith.mulf %slice3A_239, %get3A_37 : vector<256x32xf32>
    %mul3A_242 = arith.mulf %slice3A_240, %get3A_40 : vector<256x32xf32>
    %add3A_243 = arith.addf %mul3A_241, %mul3A_242 : vector<256x32xf32>
    %mul3A_244 = arith.mulf %slice3A_240, %get3A_37 : vector<256x32xf32>
    %mul3A_245 = arith.mulf %slice3A_239, %get3A_40 : vector<256x32xf32>
    %sub3A_246 = arith.subf %mul3A_244, %mul3A_245 : vector<256x32xf32>
    %concatenate3A_247 = tpu.concatenate %add3A_243, %sub3A_246 in 1 : vector<256x32xf32>, vector<256x32xf32> -> vector<256x64xf32>
    %mul3A_248 = arith.mulf %concatenate3A_247, %concatenate3A_247 : vector<256x64xf32>
    %reduce_sum3A_249 = arith.constant dense<0.000000e+00> : vector<256xf32>
    %reduce_sum3A_250 = vector.multi_reduction <add>, %mul3A_248, %reduce_sum3A_249 [1] : vector<256x64xf32> to vector<256xf32>
    %broadcast_in_dim3A_251 = vector.shape_cast %reduce_sum3A_250 : vector<256xf32> to vector<256x1xf32>
    %div3A_252 = arith.constant 6.400000e+01 : f32
    %div3A_253 = vector.broadcast %div3A_252 : f32 to vector<256x1xf32>
    %div3A_254 = arith.divf %broadcast_in_dim3A_251, %div3A_253 : vector<256x1xf32>
    %add3A_255 = arith.constant 1.1920929E-7 : f32
    %add3A_256 = vector.broadcast %add3A_255 : f32 to vector<256x1xf32>
    %add3A_257 = arith.addf %div3A_254, %add3A_256 : vector<256x1xf32>
    %rsqrt3A_258 = math.rsqrt %add3A_257 : vector<256x1xf32>
    %mul3A_259 = vector.broadcast %rsqrt3A_258 : vector<256x1xf32> to vector<256x64xf32>
    %mul3A_260 = arith.mulf %concatenate3A_247, %mul3A_259 : vector<256x64xf32>
    %mul3A_261 = arith.constant 1.250000e-01 : f32
    %mul3A_262 = vector.broadcast %mul3A_261 : f32 to vector<256x64xf32>
    %mul3A_263 = arith.mulf %mul3A_260, %mul3A_262 : vector<256x64xf32>
    %slice3A_264 = vector.extract_strided_slice %dot_general3A_11 {offsets = [0, 576], sizes = [256, 32], strides = [1, 1]} : vector<256x768xf32> to vector<256x32xf32>
    %slice3A_265 = vector.extract_strided_slice %dot_general3A_11 {offsets = [0, 608], sizes = [256, 32], strides = [1, 1]} : vector<256x768xf32> to vector<256x32xf32>
    %mul3A_266 = arith.mulf %slice3A_264, %get3A_37 : vector<256x32xf32>
    %mul3A_267 = arith.mulf %slice3A_265, %get3A_40 : vector<256x32xf32>
    %add3A_268 = arith.addf %mul3A_266, %mul3A_267 : vector<256x32xf32>
    %mul3A_269 = arith.mulf %slice3A_265, %get3A_37 : vector<256x32xf32>
    %mul3A_270 = arith.mulf %slice3A_264, %get3A_40 : vector<256x32xf32>
    %sub3A_271 = arith.subf %mul3A_269, %mul3A_270 : vector<256x32xf32>
    %concatenate3A_272 = tpu.concatenate %add3A_268, %sub3A_271 in 1 : vector<256x32xf32>, vector<256x32xf32> -> vector<256x64xf32>
    %mul3A_273 = arith.mulf %concatenate3A_272, %concatenate3A_272 : vector<256x64xf32>
    %reduce_sum3A_274 = arith.constant dense<0.000000e+00> : vector<256xf32>
    %reduce_sum3A_275 = vector.multi_reduction <add>, %mul3A_273, %reduce_sum3A_274 [1] : vector<256x64xf32> to vector<256xf32>
    %broadcast_in_dim3A_276 = vector.shape_cast %reduce_sum3A_275 : vector<256xf32> to vector<256x1xf32>
    %div3A_277 = arith.constant 6.400000e+01 : f32
    %div3A_278 = vector.broadcast %div3A_277 : f32 to vector<256x1xf32>
    %div3A_279 = arith.divf %broadcast_in_dim3A_276, %div3A_278 : vector<256x1xf32>
    %add3A_280 = arith.constant 1.1920929E-7 : f32
    %add3A_281 = vector.broadcast %add3A_280 : f32 to vector<256x1xf32>
    %add3A_282 = arith.addf %div3A_279, %add3A_281 : vector<256x1xf32>
    %rsqrt3A_283 = math.rsqrt %add3A_282 : vector<256x1xf32>
    %mul3A_284 = vector.broadcast %rsqrt3A_283 : vector<256x1xf32> to vector<256x64xf32>
    %mul3A_285 = arith.mulf %concatenate3A_272, %mul3A_284 : vector<256x64xf32>
    %mul3A_286 = arith.constant 1.250000e-01 : f32
    %mul3A_287 = vector.broadcast %mul3A_286 : f32 to vector<256x64xf32>
    %mul3A_288 = arith.mulf %mul3A_285, %mul3A_287 : vector<256x64xf32>
    %slice3A_289 = vector.extract_strided_slice %dot_general3A_11 {offsets = [0, 640], sizes = [256, 32], strides = [1, 1]} : vector<256x768xf32> to vector<256x32xf32>
    %slice3A_290 = vector.extract_strided_slice %dot_general3A_11 {offsets = [0, 672], sizes = [256, 32], strides = [1, 1]} : vector<256x768xf32> to vector<256x32xf32>
    %mul3A_291 = arith.mulf %slice3A_289, %get3A_37 : vector<256x32xf32>
    %mul3A_292 = arith.mulf %slice3A_290, %get3A_40 : vector<256x32xf32>
    %add3A_293 = arith.addf %mul3A_291, %mul3A_292 : vector<256x32xf32>
    %mul3A_294 = arith.mulf %slice3A_290, %get3A_37 : vector<256x32xf32>
    %mul3A_295 = arith.mulf %slice3A_289, %get3A_40 : vector<256x32xf32>
    %sub3A_296 = arith.subf %mul3A_294, %mul3A_295 : vector<256x32xf32>
    %concatenate3A_297 = tpu.concatenate %add3A_293, %sub3A_296 in 1 : vector<256x32xf32>, vector<256x32xf32> -> vector<256x64xf32>
    %mul3A_298 = arith.mulf %concatenate3A_297, %concatenate3A_297 : vector<256x64xf32>
    %reduce_sum3A_299 = arith.constant dense<0.000000e+00> : vector<256xf32>
    %reduce_sum3A_300 = vector.multi_reduction <add>, %mul3A_298, %reduce_sum3A_299 [1] : vector<256x64xf32> to vector<256xf32>
    %broadcast_in_dim3A_301 = vector.shape_cast %reduce_sum3A_300 : vector<256xf32> to vector<256x1xf32>
    %div3A_302 = arith.constant 6.400000e+01 : f32
    %div3A_303 = vector.broadcast %div3A_302 : f32 to vector<256x1xf32>
    %div3A_304 = arith.divf %broadcast_in_dim3A_301, %div3A_303 : vector<256x1xf32>
    %add3A_305 = arith.constant 1.1920929E-7 : f32
    %add3A_306 = vector.broadcast %add3A_305 : f32 to vector<256x1xf32>
    %add3A_307 = arith.addf %div3A_304, %add3A_306 : vector<256x1xf32>
    %rsqrt3A_308 = math.rsqrt %add3A_307 : vector<256x1xf32>
    %mul3A_309 = vector.broadcast %rsqrt3A_308 : vector<256x1xf32> to vector<256x64xf32>
    %mul3A_310 = arith.mulf %concatenate3A_297, %mul3A_309 : vector<256x64xf32>
    %mul3A_311 = arith.constant 1.250000e-01 : f32
    %mul3A_312 = vector.broadcast %mul3A_311 : f32 to vector<256x64xf32>
    %mul3A_313 = arith.mulf %mul3A_310, %mul3A_312 : vector<256x64xf32>
    %slice3A_314 = vector.extract_strided_slice %dot_general3A_11 {offsets = [0, 704], sizes = [256, 32], strides = [1, 1]} : vector<256x768xf32> to vector<256x32xf32>
    %slice3A_315 = vector.extract_strided_slice %dot_general3A_11 {offsets = [0, 736], sizes = [256, 32], strides = [1, 1]} : vector<256x768xf32> to vector<256x32xf32>
    %mul3A_316 = arith.mulf %slice3A_314, %get3A_37 : vector<256x32xf32>
    %mul3A_317 = arith.mulf %slice3A_315, %get3A_40 : vector<256x32xf32>
    %add3A_318 = arith.addf %mul3A_316, %mul3A_317 : vector<256x32xf32>
    %mul3A_319 = arith.mulf %slice3A_315, %get3A_37 : vector<256x32xf32>
    %mul3A_320 = arith.mulf %slice3A_314, %get3A_40 : vector<256x32xf32>
    %sub3A_321 = arith.subf %mul3A_319, %mul3A_320 : vector<256x32xf32>
    %concatenate3A_322 = tpu.concatenate %add3A_318, %sub3A_321 in 1 : vector<256x32xf32>, vector<256x32xf32> -> vector<256x64xf32>
    %mul3A_323 = arith.mulf %concatenate3A_322, %concatenate3A_322 : vector<256x64xf32>
    %reduce_sum3A_324 = arith.constant dense<0.000000e+00> : vector<256xf32>
    %reduce_sum3A_325 = vector.multi_reduction <add>, %mul3A_323, %reduce_sum3A_324 [1] : vector<256x64xf32> to vector<256xf32>
    %broadcast_in_dim3A_326 = vector.shape_cast %reduce_sum3A_325 : vector<256xf32> to vector<256x1xf32>
    %div3A_327 = arith.constant 6.400000e+01 : f32
    %div3A_328 = vector.broadcast %div3A_327 : f32 to vector<256x1xf32>
    %div3A_329 = arith.divf %broadcast_in_dim3A_326, %div3A_328 : vector<256x1xf32>
    %add3A_330 = arith.constant 1.1920929E-7 : f32
    %add3A_331 = vector.broadcast %add3A_330 : f32 to vector<256x1xf32>
    %add3A_332 = arith.addf %div3A_329, %add3A_331 : vector<256x1xf32>
    %rsqrt3A_333 = math.rsqrt %add3A_332 : vector<256x1xf32>
    %mul3A_334 = vector.broadcast %rsqrt3A_333 : vector<256x1xf32> to vector<256x64xf32>
    %mul3A_335 = arith.mulf %concatenate3A_322, %mul3A_334 : vector<256x64xf32>
    %mul3A_336 = arith.constant 1.250000e-01 : f32
    %mul3A_337 = vector.broadcast %mul3A_336 : f32 to vector<256x64xf32>
    %mul3A_338 = arith.mulf %mul3A_335, %mul3A_337 : vector<256x64xf32>
    %stack3A = vector.shape_cast %mul3A_63 : vector<256x64xf32> to vector<1x256x64xf32>
    %stack3A_339 = vector.shape_cast %mul3A_88 : vector<256x64xf32> to vector<1x256x64xf32>
    %stack3A_340 = vector.shape_cast %mul3A_113 : vector<256x64xf32> to vector<1x256x64xf32>
    %stack3A_341 = vector.shape_cast %mul3A_138 : vector<256x64xf32> to vector<1x256x64xf32>
    %stack3A_342 = vector.shape_cast %mul3A_163 : vector<256x64xf32> to vector<1x256x64xf32>
    %stack3A_343 = vector.shape_cast %mul3A_188 : vector<256x64xf32> to vector<1x256x64xf32>
    %stack3A_344 = vector.shape_cast %mul3A_213 : vector<256x64xf32> to vector<1x256x64xf32>
    %stack3A_345 = vector.shape_cast %mul3A_238 : vector<256x64xf32> to vector<1x256x64xf32>
    %stack3A_346 = vector.shape_cast %mul3A_263 : vector<256x64xf32> to vector<1x256x64xf32>
    %stack3A_347 = vector.shape_cast %mul3A_288 : vector<256x64xf32> to vector<1x256x64xf32>
    %stack3A_348 = vector.shape_cast %mul3A_313 : vector<256x64xf32> to vector<1x256x64xf32>
    %stack3A_349 = vector.shape_cast %mul3A_338 : vector<256x64xf32> to vector<1x256x64xf32>
    %stack3A_350 = tpu.concatenate %stack3A, %stack3A_339, %stack3A_340, %stack3A_341, %stack3A_342, %stack3A_343, %stack3A_344, %stack3A_345, %stack3A_346, %stack3A_347, %stack3A_348, %stack3A_349 in 0 : vector<1x256x64xf32>, vector<1x256x64xf32>, vector<1x256x64xf32>, vector<1x256x64xf32>, vector<1x256x64xf32>, vector<1x256x64xf32>, vector<1x256x64xf32>, vector<1x256x64xf32>, vector<1x256x64xf32>, vector<1x256x64xf32>, vector<1x256x64xf32>, vector<1x256x64xf32> -> vector<12x256x64xf32>
    %convert_element_type3A = arith.truncf %stack3A_350 : vector<12x256x64xf32> to vector<12x256x64xbf16>
    %swap3A = arith.constant 0 : index
    %swap3A_351 = arith.constant 0 : index
    %swap3A_352 = arith.constant 0 : index
    %swap3A_353 = vector.load %arg9[%swap3A, %swap3A_351, %swap3A_352] : memref<12x256x64xbf16, #tpu.memory_space<vmem>>, vector<12x256x64xbf16>
    tpu.vector_store %arg9[%swap3A, %swap3A_351, %swap3A_352], %convert_element_type3A {strides = array<i32>} : memref<12x256x64xbf16, #tpu.memory_space<vmem>>, vector<12x256x64xbf16>,
    %slice3A_354 = vector.extract_strided_slice %dot_general3A_16 {offsets = [0, 0], sizes = [256, 32], strides = [1, 1]} : vector<256x256xf32> to vector<256x32xf32>
    %slice3A_355 = vector.extract_strided_slice %dot_general3A_16 {offsets = [0, 32], sizes = [256, 32], strides = [1, 1]} : vector<256x256xf32> to vector<256x32xf32>
    %mul3A_356 = arith.mulf %slice3A_354, %get3A_37 : vector<256x32xf32>
    %mul3A_357 = arith.mulf %slice3A_355, %get3A_40 : vector<256x32xf32>
    %add3A_358 = arith.addf %mul3A_356, %mul3A_357 : vector<256x32xf32>
    %mul3A_359 = arith.mulf %slice3A_355, %get3A_37 : vector<256x32xf32>
    %mul3A_360 = arith.mulf %slice3A_354, %get3A_40 : vector<256x32xf32>
    %sub3A_361 = arith.subf %mul3A_359, %mul3A_360 : vector<256x32xf32>
    %concatenate3A_362 = tpu.concatenate %add3A_358, %sub3A_361 in 1 : vector<256x32xf32>, vector<256x32xf32> -> vector<256x64xf32>
    %mul3A_363 = arith.mulf %concatenate3A_362, %concatenate3A_362 : vector<256x64xf32>
    %reduce_sum3A_364 = arith.constant dense<0.000000e+00> : vector<256xf32>
    %reduce_sum3A_365 = vector.multi_reduction <add>, %mul3A_363, %reduce_sum3A_364 [1] : vector<256x64xf32> to vector<256xf32>
    %broadcast_in_dim3A_366 = vector.shape_cast %reduce_sum3A_365 : vector<256xf32> to vector<256x1xf32>
    %div3A_367 = arith.constant 6.400000e+01 : f32
    %div3A_368 = vector.broadcast %div3A_367 : f32 to vector<256x1xf32>
    %div3A_369 = arith.divf %broadcast_in_dim3A_366, %div3A_368 : vector<256x1xf32>
    %add3A_370 = arith.constant 1.1920929E-7 : f32
    %add3A_371 = vector.broadcast %add3A_370 : f32 to vector<256x1xf32>
    %add3A_372 = arith.addf %div3A_369, %add3A_371 : vector<256x1xf32>
    %rsqrt3A_373 = math.rsqrt %add3A_372 : vector<256x1xf32>
    %mul3A_374 = vector.broadcast %rsqrt3A_373 : vector<256x1xf32> to vector<256x64xf32>
    %mul3A_375 = arith.mulf %concatenate3A_362, %mul3A_374 : vector<256x64xf32>
    %slice3A_376 = vector.extract_strided_slice %dot_general3A_16 {offsets = [0, 64], sizes = [256, 32], strides = [1, 1]} : vector<256x256xf32> to vector<256x32xf32>
    %slice3A_377 = vector.extract_strided_slice %dot_general3A_16 {offsets = [0, 96], sizes = [256, 32], strides = [1, 1]} : vector<256x256xf32> to vector<256x32xf32>
    %mul3A_378 = arith.mulf %slice3A_376, %get3A_37 : vector<256x32xf32>
    %mul3A_379 = arith.mulf %slice3A_377, %get3A_40 : vector<256x32xf32>
    %add3A_380 = arith.addf %mul3A_378, %mul3A_379 : vector<256x32xf32>
    %mul3A_381 = arith.mulf %slice3A_377, %get3A_37 : vector<256x32xf32>
    %mul3A_382 = arith.mulf %slice3A_376, %get3A_40 : vector<256x32xf32>
    %sub3A_383 = arith.subf %mul3A_381, %mul3A_382 : vector<256x32xf32>
    %concatenate3A_384 = tpu.concatenate %add3A_380, %sub3A_383 in 1 : vector<256x32xf32>, vector<256x32xf32> -> vector<256x64xf32>
    %mul3A_385 = arith.mulf %concatenate3A_384, %concatenate3A_384 : vector<256x64xf32>
    %reduce_sum3A_386 = arith.constant dense<0.000000e+00> : vector<256xf32>
    %reduce_sum3A_387 = vector.multi_reduction <add>, %mul3A_385, %reduce_sum3A_386 [1] : vector<256x64xf32> to vector<256xf32>
    %broadcast_in_dim3A_388 = vector.shape_cast %reduce_sum3A_387 : vector<256xf32> to vector<256x1xf32>
    %div3A_389 = arith.constant 6.400000e+01 : f32
    %div3A_390 = vector.broadcast %div3A_389 : f32 to vector<256x1xf32>
    %div3A_391 = arith.divf %broadcast_in_dim3A_388, %div3A_390 : vector<256x1xf32>
    %add3A_392 = arith.constant 1.1920929E-7 : f32
    %add3A_393 = vector.broadcast %add3A_392 : f32 to vector<256x1xf32>
    %add3A_394 = arith.addf %div3A_391, %add3A_393 : vector<256x1xf32>
    %rsqrt3A_395 = math.rsqrt %add3A_394 : vector<256x1xf32>
    %mul3A_396 = vector.broadcast %rsqrt3A_395 : vector<256x1xf32> to vector<256x64xf32>
    %mul3A_397 = arith.mulf %concatenate3A_384, %mul3A_396 : vector<256x64xf32>
    %slice3A_398 = vector.extract_strided_slice %dot_general3A_16 {offsets = [0, 128], sizes = [256, 32], strides = [1, 1]} : vector<256x256xf32> to vector<256x32xf32>
    %slice3A_399 = vector.extract_strided_slice %dot_general3A_16 {offsets = [0, 160], sizes = [256, 32], strides = [1, 1]} : vector<256x256xf32> to vector<256x32xf32>
    %mul3A_400 = arith.mulf %slice3A_398, %get3A_37 : vector<256x32xf32>
    %mul3A_401 = arith.mulf %slice3A_399, %get3A_40 : vector<256x32xf32>
    %add3A_402 = arith.addf %mul3A_400, %mul3A_401 : vector<256x32xf32>
    %mul3A_403 = arith.mulf %slice3A_399, %get3A_37 : vector<256x32xf32>
    %mul3A_404 = arith.mulf %slice3A_398, %get3A_40 : vector<256x32xf32>
    %sub3A_405 = arith.subf %mul3A_403, %mul3A_404 : vector<256x32xf32>
    %concatenate3A_406 = tpu.concatenate %add3A_402, %sub3A_405 in 1 : vector<256x32xf32>, vector<256x32xf32> -> vector<256x64xf32>
    %mul3A_407 = arith.mulf %concatenate3A_406, %concatenate3A_406 : vector<256x64xf32>
    %reduce_sum3A_408 = arith.constant dense<0.000000e+00> : vector<256xf32>
    %reduce_sum3A_409 = vector.multi_reduction <add>, %mul3A_407, %reduce_sum3A_408 [1] : vector<256x64xf32> to vector<256xf32>
    %broadcast_in_dim3A_410 = vector.shape_cast %reduce_sum3A_409 : vector<256xf32> to vector<256x1xf32>
    %div3A_411 = arith.constant 6.400000e+01 : f32
    %div3A_412 = vector.broadcast %div3A_411 : f32 to vector<256x1xf32>
    %div3A_413 = arith.divf %broadcast_in_dim3A_410, %div3A_412 : vector<256x1xf32>
    %add3A_414 = arith.constant 1.1920929E-7 : f32
    %add3A_415 = vector.broadcast %add3A_414 : f32 to vector<256x1xf32>
    %add3A_416 = arith.addf %div3A_413, %add3A_415 : vector<256x1xf32>
    %rsqrt3A_417 = math.rsqrt %add3A_416 : vector<256x1xf32>
    %mul3A_418 = vector.broadcast %rsqrt3A_417 : vector<256x1xf32> to vector<256x64xf32>
    %mul3A_419 = arith.mulf %concatenate3A_406, %mul3A_418 : vector<256x64xf32>
    %slice3A_420 = vector.extract_strided_slice %dot_general3A_16 {offsets = [0, 192], sizes = [256, 32], strides = [1, 1]} : vector<256x256xf32> to vector<256x32xf32>
    %slice3A_421 = vector.extract_strided_slice %dot_general3A_16 {offsets = [0, 224], sizes = [256, 32], strides = [1, 1]} : vector<256x256xf32> to vector<256x32xf32>
    %mul3A_422 = arith.mulf %slice3A_420, %get3A_37 : vector<256x32xf32>
    %mul3A_423 = arith.mulf %slice3A_421, %get3A_40 : vector<256x32xf32>
    %add3A_424 = arith.addf %mul3A_422, %mul3A_423 : vector<256x32xf32>
    %mul3A_425 = arith.mulf %slice3A_421, %get3A_37 : vector<256x32xf32>
    %mul3A_426 = arith.mulf %slice3A_420, %get3A_40 : vector<256x32xf32>
    %sub3A_427 = arith.subf %mul3A_425, %mul3A_426 : vector<256x32xf32>
    %concatenate3A_428 = tpu.concatenate %add3A_424, %sub3A_427 in 1 : vector<256x32xf32>, vector<256x32xf32> -> vector<256x64xf32>
    %mul3A_429 = arith.mulf %concatenate3A_428, %concatenate3A_428 : vector<256x64xf32>
    %reduce_sum3A_430 = arith.constant dense<0.000000e+00> : vector<256xf32>
    %reduce_sum3A_431 = vector.multi_reduction <add>, %mul3A_429, %reduce_sum3A_430 [1] : vector<256x64xf32> to vector<256xf32>
    %broadcast_in_dim3A_432 = vector.shape_cast %reduce_sum3A_431 : vector<256xf32> to vector<256x1xf32>
    %div3A_433 = arith.constant 6.400000e+01 : f32
    %div3A_434 = vector.broadcast %div3A_433 : f32 to vector<256x1xf32>
    %div3A_435 = arith.divf %broadcast_in_dim3A_432, %div3A_434 : vector<256x1xf32>
    %add3A_436 = arith.constant 1.1920929E-7 : f32
    %add3A_437 = vector.broadcast %add3A_436 : f32 to vector<256x1xf32>
    %add3A_438 = arith.addf %div3A_435, %add3A_437 : vector<256x1xf32>
    %rsqrt3A_439 = math.rsqrt %add3A_438 : vector<256x1xf32>
    %mul3A_440 = vector.broadcast %rsqrt3A_439 : vector<256x1xf32> to vector<256x64xf32>
    %mul3A_441 = arith.mulf %concatenate3A_428, %mul3A_440 : vector<256x64xf32>
    %stack3A_442 = vector.shape_cast %mul3A_375 : vector<256x64xf32> to vector<1x256x64xf32>
    %stack3A_443 = vector.shape_cast %mul3A_397 : vector<256x64xf32> to vector<1x256x64xf32>
    %stack3A_444 = vector.shape_cast %mul3A_419 : vector<256x64xf32> to vector<1x256x64xf32>
    %stack3A_445 = vector.shape_cast %mul3A_441 : vector<256x64xf32> to vector<1x256x64xf32>
    %stack3A_446 = tpu.concatenate %stack3A_442, %stack3A_443, %stack3A_444, %stack3A_445 in 0 : vector<1x256x64xf32>, vector<1x256x64xf32>, vector<1x256x64xf32>, vector<1x256x64xf32> -> vector<4x256x64xf32>
    %convert_element_type3A_447 = arith.truncf %stack3A_446 : vector<4x256x64xf32> to vector<4x256x64xbf16>
    %swap3A_448 = arith.constant 0 : index
    %swap3A_449 = arith.constant 0 : index
    %swap3A_450 = arith.constant 0 : index
    %swap3A_451 = vector.load %arg10[%swap3A_448, %swap3A_449, %swap3A_450] : memref<4x256x64xbf16, #tpu.memory_space<vmem>>, vector<4x256x64xbf16>
    tpu.vector_store %arg10[%swap3A_448, %swap3A_449, %swap3A_450], %convert_element_type3A_447 {strides = array<i32>} : memref<4x256x64xbf16, #tpu.memory_space<vmem>>, vector<4x256x64xbf16>,
    %slice3A_452 = vector.extract_strided_slice %dot_general3A_21 {offsets = [0, 0], sizes = [256, 64], strides = [1, 1]} : vector<256x256xf32> to vector<256x64xf32>
    %slice3A_453 = vector.extract_strided_slice %mul3A_34 {offsets = [0, 0], sizes = [256, 1], strides = [1, 1]} : vector<256x4xf32> to vector<256x1xf32>
    %get3A_454 = arith.constant 0 : index
    %get3A_455 = arith.constant 0 : index
    %get3A_456 = vector.load %arg2[%get3A_454, %get3A_455] : memref<256x256xf32, #tpu.memory_space<vmem>>, vector<256x64xf32>
    %mul3A_457 = vector.broadcast %slice3A_453 : vector<256x1xf32> to vector<256x64xf32>
    %mul3A_458 = arith.mulf %mul3A_457, %get3A_456 : vector<256x64xf32>
    %add3A_459 = arith.addf %slice3A_452, %mul3A_458 : vector<256x64xf32>
    %slice3A_460 = vector.extract_strided_slice %dot_general3A_21 {offsets = [0, 64], sizes = [256, 64], strides = [1, 1]} : vector<256x256xf32> to vector<256x64xf32>
    %slice3A_461 = vector.extract_strided_slice %mul3A_34 {offsets = [0, 1], sizes = [256, 1], strides = [1, 1]} : vector<256x4xf32> to vector<256x1xf32>
    %get3A_462 = arith.constant 0 : index
    %get3A_463 = arith.constant 64 : index
    %get3A_464 = vector.load %arg2[%get3A_462, %get3A_463] : memref<256x256xf32, #tpu.memory_space<vmem>>, vector<256x64xf32>
    %mul3A_465 = vector.broadcast %slice3A_461 : vector<256x1xf32> to vector<256x64xf32>
    %mul3A_466 = arith.mulf %mul3A_465, %get3A_464 : vector<256x64xf32>
    %add3A_467 = arith.addf %slice3A_460, %mul3A_466 : vector<256x64xf32>
    %slice3A_468 = vector.extract_strided_slice %dot_general3A_21 {offsets = [0, 128], sizes = [256, 64], strides = [1, 1]} : vector<256x256xf32> to vector<256x64xf32>
    %slice3A_469 = vector.extract_strided_slice %mul3A_34 {offsets = [0, 2], sizes = [256, 1], strides = [1, 1]} : vector<256x4xf32> to vector<256x1xf32>
    %get3A_470 = arith.constant 0 : index
    %get3A_471 = arith.constant 128 : index
    %get3A_472 = vector.load %arg2[%get3A_470, %get3A_471] : memref<256x256xf32, #tpu.memory_space<vmem>>, vector<256x64xf32>
    %mul3A_473 = vector.broadcast %slice3A_469 : vector<256x1xf32> to vector<256x64xf32>
    %mul3A_474 = arith.mulf %mul3A_473, %get3A_472 : vector<256x64xf32>
    %add3A_475 = arith.addf %slice3A_468, %mul3A_474 : vector<256x64xf32>
    %slice3A_476 = vector.extract_strided_slice %dot_general3A_21 {offsets = [0, 192], sizes = [256, 64], strides = [1, 1]} : vector<256x256xf32> to vector<256x64xf32>
    %slice3A_477 = vector.extract_strided_slice %mul3A_34 {offsets = [0, 3], sizes = [256, 1], strides = [1, 1]} : vector<256x4xf32> to vector<256x1xf32>
    %get3A_478 = arith.constant 0 : index
    %get3A_479 = arith.constant 192 : index
    %get3A_480 = vector.load %arg2[%get3A_478, %get3A_479] : memref<256x256xf32, #tpu.memory_space<vmem>>, vector<256x64xf32>
    %mul3A_481 = vector.broadcast %slice3A_477 : vector<256x1xf32> to vector<256x64xf32>
    %mul3A_482 = arith.mulf %mul3A_481, %get3A_480 : vector<256x64xf32>
    %add3A_483 = arith.addf %slice3A_476, %mul3A_482 : vector<256x64xf32>
    %stack3A_484 = vector.shape_cast %add3A_459 : vector<256x64xf32> to vector<1x256x64xf32>
    %stack3A_485 = vector.shape_cast %add3A_467 : vector<256x64xf32> to vector<1x256x64xf32>
    %stack3A_486 = vector.shape_cast %add3A_475 : vector<256x64xf32> to vector<1x256x64xf32>
    %stack3A_487 = vector.shape_cast %add3A_483 : vector<256x64xf32> to vector<1x256x64xf32>
    %stack3A_488 = tpu.concatenate %stack3A_484, %stack3A_485, %stack3A_486, %stack3A_487 in 0 : vector<1x256x64xf32>, vector<1x256x64xf32>, vector<1x256x64xf32>, vector<1x256x64xf32> -> vector<4x256x64xf32>
    %convert_element_type3A_489 = arith.truncf %stack3A_488 : vector<4x256x64xf32> to vector<4x256x64xbf16>
    %swap3A_490 = arith.constant 0 : index
    %swap3A_491 = arith.constant 0 : index
    %swap3A_492 = arith.constant 0 : index
    %swap3A_493 = vector.load %arg11[%swap3A_490, %swap3A_491, %swap3A_492] : memref<4x256x64xbf16, #tpu.memory_space<vmem>>, vector<4x256x64xbf16>
    tpu.vector_store %arg11[%swap3A_490, %swap3A_491, %swap3A_492], %convert_element_type3A_489 {strides = array<i32>} : memref<4x256x64xbf16, #tpu.memory_space<vmem>>, vector<4x256x64xbf16>,
    return
  }
  func.func @transform_0(%arg0: i32) -> (i32, i32) {
    %c0_i32 = arith.constant 0 : i32
    %c0_i32_0 = arith.constant 0 : i32
    return %arg0, %c0_i32 : i32, i32
  }
  func.func @transform_1(%arg0: i32) -> (i32, i32) {
    %c0_i32 = arith.constant 0 : i32
    %c0_i32_0 = arith.constant 0 : i32
    return %arg0, %c0_i32 : i32, i32
  }
  func.func @transform_2(%arg0: i32) -> (i32, i32) {
    %c0_i32 = arith.constant 0 : i32
    %c0_i32_0 = arith.constant 0 : i32
    return %arg0, %c0_i32 : i32, i32
  }
  func.func @transform_3(%arg0: i32) -> (i32, i32) {
    %c0_i32 = arith.constant 0 : i32
    %c0_i32_0 = arith.constant 0 : i32
    return %arg0, %c0_i32 : i32, i32
  }
  func.func @transform_4(%arg0: i32) -> (i32, i32) {
    %c0_i32 = arith.constant 0 : i32
    %c0_i32_0 = arith.constant 0 : i32
    %c0_i32_1 = arith.constant 0 : i32
    return %c0_i32, %c0_i32_0 : i32, i32
  }
  func.func @transform_5(%arg0: i32) -> (i32, i32) {
    %c0_i32 = arith.constant 0 : i32
    %c0_i32_0 = arith.constant 0 : i32
    %c0_i32_1 = arith.constant 0 : i32
    return %c0_i32, %c0_i32_0 : i32, i32
  }
  func.func @transform_6(%arg0: i32) -> (i32, i32) {
    %c0_i32 = arith.constant 0 : i32
    %c0_i32_0 = arith.constant 0 : i32
    %c0_i32_1 = arith.constant 0 : i32
    return %c0_i32, %c0_i32_0 : i32, i32
  }
  func.func @transform_7(%arg0: i32) -> (i32, i32) {
    %c0_i32 = arith.constant 0 : i32
    %c0_i32_0 = arith.constant 0 : i32
    %c0_i32_1 = arith.constant 0 : i32
    return %c0_i32, %c0_i32_0 : i32, i32
  }
  func.func @transform_8(%arg0: i32) -> (i32, i32, i32) {
    %c0_i32 = arith.constant 0 : i32
    %c0_i32_0 = arith.constant 0 : i32
    %c0_i32_1 = arith.constant 0 : i32
    return %c0_i32, %arg0, %c0_i32_0 : i32, i32, i32
  }
  func.func @transform_9(%arg0: i32) -> (i32, i32, i32) {
    %c0_i32 = arith.constant 0 : i32
    %c0_i32_0 = arith.constant 0 : i32
    %c0_i32_1 = arith.constant 0 : i32
    return %c0_i32, %arg0, %c0_i32_0 : i32, i32, i32
  }
  func.func @transform_10(%arg0: i32) -> (i32, i32, i32) {
    %c0_i32 = arith.constant 0 : i32
    %c0_i32_0 = arith.constant 0 : i32
    %c0_i32_1 = arith.constant 0 : i32
    return %c0_i32, %arg0, %c0_i32_0 : i32, i32, i32
  }
}

module attributes {stable_mosaic.version = 14 : i64} {
  func.func @_post_body(%arg0: i32, %arg1: memref<256x768xf32, #tpu.memory_space<vmem>>, %arg2: memref<12x256x64xbf16, #tpu.memory_space<vmem>>, %arg3: memref<768x768xbf16, #tpu.memory_space<vmem>>, %arg4: memref<768x768xbf16, #tpu.memory_space<vmem>>, %arg5: memref<768x768xbf16, #tpu.memory_space<vmem>>, %arg6: memref<768x8xf32, #tpu.memory_space<vmem>>, %arg7: memref<256x768xf32, #tpu.memory_space<vmem>>, %arg8: memref<256x768xf32, #tpu.memory_space<vmem>>, %arg9: memref<256x2xi32, #tpu.memory_space<vmem>>, %arg10: memref<256x2xf32, #tpu.memory_space<vmem>>) attributes {dimension_semantics = [#tpu.dimension_semantics<arbitrary>], iteration_bounds = array<i64: 8>, scalar_prefetch = 0 : i64, scratch_operands = 0 : i64, tpu.core_type = #tpu.core_type<tc>, window_params = [{transform_indices = @transform_0, window_bounds = array<i64: 256, 768>}, {transform_indices = @transform_1, window_bounds = array<i64: 12, 256, 64>}, {pipeline_mode = #tpu.pipeline_mode<synchronous>, transform_indices = @transform_2, window_bounds = array<i64: 768, 768>}, {pipeline_mode = #tpu.pipeline_mode<synchronous>, transform_indices = @transform_3, window_bounds = array<i64: 768, 768>}, {pipeline_mode = #tpu.pipeline_mode<synchronous>, transform_indices = @transform_4, window_bounds = array<i64: 768, 768>}, {pipeline_mode = #tpu.pipeline_mode<synchronous>, transform_indices = @transform_5, window_bounds = array<i64: 768, 8>}, {transform_indices = @transform_6, window_bounds = array<i64: 256, 768>}, {transform_indices = @transform_7, window_bounds = array<i64: 256, 768>}, {transform_indices = @transform_8, window_bounds = array<i64: 256, 2>}, {transform_indices = @transform_9, window_bounds = array<i64: 256, 2>}]} {
    %get3A = arith.constant 0 : index
    %get3A_0 = arith.constant 0 : index
    %get3A_1 = arith.constant 0 : index
    %get3A_2 = vector.load %arg2[%get3A, %get3A_0, %get3A_1] : memref<12x256x64xbf16, #tpu.memory_space<vmem>>, vector<1x256x64xbf16>
    %get3A_3 = vector.shape_cast %get3A_2 : vector<1x256x64xbf16> to vector<256x64xbf16>
    %get3A_4 = arith.constant 1 : index
    %get3A_5 = arith.constant 0 : index
    %get3A_6 = arith.constant 0 : index
    %get3A_7 = vector.load %arg2[%get3A_4, %get3A_5, %get3A_6] : memref<12x256x64xbf16, #tpu.memory_space<vmem>>, vector<1x256x64xbf16>
    %get3A_8 = vector.shape_cast %get3A_7 : vector<1x256x64xbf16> to vector<256x64xbf16>
    %get3A_9 = arith.constant 2 : index
    %get3A_10 = arith.constant 0 : index
    %get3A_11 = arith.constant 0 : index
    %get3A_12 = vector.load %arg2[%get3A_9, %get3A_10, %get3A_11] : memref<12x256x64xbf16, #tpu.memory_space<vmem>>, vector<1x256x64xbf16>
    %get3A_13 = vector.shape_cast %get3A_12 : vector<1x256x64xbf16> to vector<256x64xbf16>
    %get3A_14 = arith.constant 3 : index
    %get3A_15 = arith.constant 0 : index
    %get3A_16 = arith.constant 0 : index
    %get3A_17 = vector.load %arg2[%get3A_14, %get3A_15, %get3A_16] : memref<12x256x64xbf16, #tpu.memory_space<vmem>>, vector<1x256x64xbf16>
    %get3A_18 = vector.shape_cast %get3A_17 : vector<1x256x64xbf16> to vector<256x64xbf16>
    %get3A_19 = arith.constant 4 : index
    %get3A_20 = arith.constant 0 : index
    %get3A_21 = arith.constant 0 : index
    %get3A_22 = vector.load %arg2[%get3A_19, %get3A_20, %get3A_21] : memref<12x256x64xbf16, #tpu.memory_space<vmem>>, vector<1x256x64xbf16>
    %get3A_23 = vector.shape_cast %get3A_22 : vector<1x256x64xbf16> to vector<256x64xbf16>
    %get3A_24 = arith.constant 5 : index
    %get3A_25 = arith.constant 0 : index
    %get3A_26 = arith.constant 0 : index
    %get3A_27 = vector.load %arg2[%get3A_24, %get3A_25, %get3A_26] : memref<12x256x64xbf16, #tpu.memory_space<vmem>>, vector<1x256x64xbf16>
    %get3A_28 = vector.shape_cast %get3A_27 : vector<1x256x64xbf16> to vector<256x64xbf16>
    %get3A_29 = arith.constant 6 : index
    %get3A_30 = arith.constant 0 : index
    %get3A_31 = arith.constant 0 : index
    %get3A_32 = vector.load %arg2[%get3A_29, %get3A_30, %get3A_31] : memref<12x256x64xbf16, #tpu.memory_space<vmem>>, vector<1x256x64xbf16>
    %get3A_33 = vector.shape_cast %get3A_32 : vector<1x256x64xbf16> to vector<256x64xbf16>
    %get3A_34 = arith.constant 7 : index
    %get3A_35 = arith.constant 0 : index
    %get3A_36 = arith.constant 0 : index
    %get3A_37 = vector.load %arg2[%get3A_34, %get3A_35, %get3A_36] : memref<12x256x64xbf16, #tpu.memory_space<vmem>>, vector<1x256x64xbf16>
    %get3A_38 = vector.shape_cast %get3A_37 : vector<1x256x64xbf16> to vector<256x64xbf16>
    %get3A_39 = arith.constant 8 : index
    %get3A_40 = arith.constant 0 : index
    %get3A_41 = arith.constant 0 : index
    %get3A_42 = vector.load %arg2[%get3A_39, %get3A_40, %get3A_41] : memref<12x256x64xbf16, #tpu.memory_space<vmem>>, vector<1x256x64xbf16>
    %get3A_43 = vector.shape_cast %get3A_42 : vector<1x256x64xbf16> to vector<256x64xbf16>
    %get3A_44 = arith.constant 9 : index
    %get3A_45 = arith.constant 0 : index
    %get3A_46 = arith.constant 0 : index
    %get3A_47 = vector.load %arg2[%get3A_44, %get3A_45, %get3A_46] : memref<12x256x64xbf16, #tpu.memory_space<vmem>>, vector<1x256x64xbf16>
    %get3A_48 = vector.shape_cast %get3A_47 : vector<1x256x64xbf16> to vector<256x64xbf16>
    %get3A_49 = arith.constant 10 : index
    %get3A_50 = arith.constant 0 : index
    %get3A_51 = arith.constant 0 : index
    %get3A_52 = vector.load %arg2[%get3A_49, %get3A_50, %get3A_51] : memref<12x256x64xbf16, #tpu.memory_space<vmem>>, vector<1x256x64xbf16>
    %get3A_53 = vector.shape_cast %get3A_52 : vector<1x256x64xbf16> to vector<256x64xbf16>
    %get3A_54 = arith.constant 11 : index
    %get3A_55 = arith.constant 0 : index
    %get3A_56 = arith.constant 0 : index
    %get3A_57 = vector.load %arg2[%get3A_54, %get3A_55, %get3A_56] : memref<12x256x64xbf16, #tpu.memory_space<vmem>>, vector<1x256x64xbf16>
    %get3A_58 = vector.shape_cast %get3A_57 : vector<1x256x64xbf16> to vector<256x64xbf16>
    %concatenate3A = tpu.concatenate %get3A_3, %get3A_8, %get3A_13, %get3A_18, %get3A_23, %get3A_28, %get3A_33, %get3A_38, %get3A_43, %get3A_48, %get3A_53, %get3A_58 in 1 : vector<256x64xbf16>, vector<256x64xbf16>, vector<256x64xbf16>, vector<256x64xbf16>, vector<256x64xbf16>, vector<256x64xbf16>, vector<256x64xbf16>, vector<256x64xbf16>, vector<256x64xbf16>, vector<256x64xbf16>, vector<256x64xbf16>, vector<256x64xbf16> -> vector<256x768xbf16>
    %get3A_59 = arith.constant 0 : index
    %get3A_60 = arith.constant 0 : index
    %get3A_61 = vector.load %arg3[%get3A_59, %get3A_60] : memref<768x768xbf16, #tpu.memory_space<vmem>>, vector<768x768xbf16>
    %dot_general3A = arith.constant dense<0.000000e+00> : vector<256x768xf32>
    %dot_general3A_62 = tpu.matmul %concatenate3A, %get3A_61, %dot_general3A {dimension_numbers = #tpu.dot_dimension_numbers<[1], [0], [0], [1], [0, 0, 1, 1], [], []>, transpose_lhs_hint = false} : vector<256x768xbf16>, vector<768x768xbf16>, vector<256x768xf32> -> vector<256x768xf32>
    %get3A_63 = arith.constant 0 : index
    %get3A_64 = arith.constant 0 : index
    %get3A_65 = vector.load %arg1[%get3A_63, %get3A_64] : memref<256x768xf32, #tpu.memory_space<vmem>>, vector<256x768xf32>
    %add3A = arith.addf %get3A_65, %dot_general3A_62 : vector<256x768xf32>
    %square3A = arith.mulf %add3A, %add3A : vector<256x768xf32>
    %reduce_sum3A = arith.constant dense<0.000000e+00> : vector<256xf32>
    %reduce_sum3A_66 = vector.multi_reduction <add>, %square3A, %reduce_sum3A [1] : vector<256x768xf32> to vector<256xf32>
    %broadcast_in_dim3A = vector.shape_cast %reduce_sum3A_66 : vector<256xf32> to vector<256x1xf32>
    %div3A = arith.constant 7.680000e+02 : f32
    %div3A_67 = vector.broadcast %div3A : f32 to vector<256x1xf32>
    %div3A_68 = arith.divf %broadcast_in_dim3A, %div3A_67 : vector<256x1xf32>
    %add3A_69 = arith.constant 1.1920929E-7 : f32
    %add3A_70 = vector.broadcast %add3A_69 : f32 to vector<256x1xf32>
    %add3A_71 = arith.addf %div3A_68, %add3A_70 : vector<256x1xf32>
    %rsqrt3A = math.rsqrt %add3A_71 : vector<256x1xf32>
    %mul3A = vector.broadcast %rsqrt3A : vector<256x1xf32> to vector<256x768xf32>
    %mul3A_72 = arith.mulf %add3A, %mul3A : vector<256x768xf32>
    %swap3A = arith.constant 0 : index
    %swap3A_73 = arith.constant 0 : index
    %swap3A_74 = vector.load %arg8[%swap3A, %swap3A_73] : memref<256x768xf32, #tpu.memory_space<vmem>>, vector<256x768xf32>
    tpu.vector_store %arg8[%swap3A, %swap3A_73], %mul3A_72 {strides = array<i32>} : memref<256x768xf32, #tpu.memory_space<vmem>>, vector<256x768xf32>,
    %convert_element_type3A = arith.truncf %mul3A_72 : vector<256x768xf32> to vector<256x768xbf16>
    %get3A_75 = arith.constant 0 : index
    %get3A_76 = arith.constant 0 : index
    %get3A_77 = vector.load %arg4[%get3A_75, %get3A_76] : memref<768x768xbf16, #tpu.memory_space<vmem>>, vector<768x768xbf16>
    %dot_general3A_78 = arith.constant dense<0.000000e+00> : vector<256x768xf32>
    %dot_general3A_79 = tpu.matmul %convert_element_type3A, %get3A_77, %dot_general3A_78 {dimension_numbers = #tpu.dot_dimension_numbers<[1], [0], [0], [1], [0, 0, 1, 1], [], []>, transpose_lhs_hint = false} : vector<256x768xbf16>, vector<768x768xbf16>, vector<256x768xf32> -> vector<256x768xf32>
    %max3A = arith.constant 0.000000e+00 : f32
    %max3A_80 = vector.broadcast %max3A : f32 to vector<256x768xf32>
    %max3A_81 = arith.maximumf %dot_general3A_79, %max3A_80 : vector<256x768xf32>
    %mul3A_82 = arith.mulf %max3A_81, %max3A_81 : vector<256x768xf32>
    %convert_element_type3A_83 = arith.truncf %mul3A_82 : vector<256x768xf32> to vector<256x768xbf16>
    %get3A_84 = arith.constant 0 : index
    %get3A_85 = arith.constant 0 : index
    %get3A_86 = vector.load %arg5[%get3A_84, %get3A_85] : memref<768x768xbf16, #tpu.memory_space<vmem>>, vector<768x768xbf16>
    %dot_general3A_87 = arith.constant dense<0.000000e+00> : vector<256x768xf32>
    %dot_general3A_88 = tpu.matmul %convert_element_type3A_83, %get3A_86, %dot_general3A_87 {dimension_numbers = #tpu.dot_dimension_numbers<[1], [0], [0], [1], [0, 0, 1, 1], [], []>, transpose_lhs_hint = false} : vector<256x768xbf16>, vector<768x768xbf16>, vector<256x768xf32> -> vector<256x768xf32>
    %add3A_89 = arith.addf %add3A, %dot_general3A_88 : vector<256x768xf32>
    %swap3A_90 = arith.constant 0 : index
    %swap3A_91 = arith.constant 0 : index
    %swap3A_92 = vector.load %arg7[%swap3A_90, %swap3A_91] : memref<256x768xf32, #tpu.memory_space<vmem>>, vector<256x768xf32>
    tpu.vector_store %arg7[%swap3A_90, %swap3A_91], %add3A_89 {strides = array<i32>} : memref<256x768xf32, #tpu.memory_space<vmem>>, vector<256x768xf32>,
    %get3A_93 = arith.constant 0 : index
    %get3A_94 = arith.constant 0 : index
    %get3A_95 = vector.load %arg6[%get3A_93, %get3A_94] : memref<768x8xf32, #tpu.memory_space<vmem>>, vector<768x8xf32>
    %dot_general3A_96 = arith.constant dense<0.000000e+00> : vector<256x8xf32>
    %dot_general3A_97 = tpu.matmul %mul3A_72, %get3A_95, %dot_general3A_96 {dimension_numbers = #tpu.dot_dimension_numbers<[1], [0], [0], [1], [0, 0, 1, 1], [], []>, transpose_lhs_hint = false} : vector<256x768xf32>, vector<768x8xf32>, vector<256x8xf32> -> vector<256x8xf32>
    %logistic3A = arith.negf %dot_general3A_97 : vector<256x8xf32>
    %logistic3A_98 = math.exp %logistic3A : vector<256x8xf32>
    %logistic3A_99 = arith.constant 1.000000e+00 : f32
    %logistic3A_100 = vector.broadcast %logistic3A_99 : f32 to vector<256x8xf32>
    %logistic3A_101 = arith.addf %logistic3A_100, %logistic3A_98 : vector<256x8xf32>
    %logistic3A_102 = arith.divf %logistic3A_100, %logistic3A_101 : vector<256x8xf32>
    %iota3A = tpu.iota {dimensions = array<i32: 1>} : vector<256x8xi32>
    %reduce_max3A = arith.constant dense<0xFF800000> : vector<256xf32>
    %reduce_max3A_103 = vector.multi_reduction <maximumf>, %logistic3A_102, %reduce_max3A [1] : vector<256x8xf32> to vector<256xf32>
    %broadcast_in_dim3A_104 = vector.shape_cast %reduce_max3A_103 : vector<256xf32> to vector<256x1xf32>
    %eq3A = vector.broadcast %broadcast_in_dim3A_104 : vector<256x1xf32> to vector<256x8xf32>
    %eq3A_105 = arith.cmpf oeq, %logistic3A_102, %eq3A : vector<256x8xf32>
    %jit3A = arith.constant 8 : i32
    %broadcast_in_dim3A_106 = vector.broadcast %jit3A : i32 to vector<256x8xi32>
    %select_n3A = arith.select %eq3A_105, %iota3A, %broadcast_in_dim3A_106 : vector<256x8xi1>, vector<256x8xi32>
    %reduce_min3A = arith.constant dense<2147483647> : vector<256xi32>
    %reduce_min3A_107 = vector.multi_reduction <minsi>, %select_n3A, %reduce_min3A [1] : vector<256x8xi32> to vector<256xi32>
    %broadcast_in_dim3A_108 = vector.shape_cast %reduce_min3A_107 : vector<256xi32> to vector<256x1xi32>
    %eq3A_109 = vector.broadcast %broadcast_in_dim3A_108 : vector<256x1xi32> to vector<256x8xi32>
    %eq3A_110 = arith.cmpi eq, %iota3A, %eq3A_109 : vector<256x8xi32>
    %jit3A_111 = arith.constant -1.000000e+00 : f32
    %broadcast_in_dim3A_112 = vector.broadcast %jit3A_111 : f32 to vector<256x8xf32>
    %select_n3A_113 = arith.select %eq3A_110, %broadcast_in_dim3A_112, %logistic3A_102 : vector<256x8xi1>, vector<256x8xf32>
    %reduce_max3A_114 = arith.constant dense<0xFF800000> : vector<256xf32>
    %reduce_max3A_115 = vector.multi_reduction <maximumf>, %select_n3A_113, %reduce_max3A_114 [1] : vector<256x8xf32> to vector<256xf32>
    %broadcast_in_dim3A_116 = vector.shape_cast %reduce_max3A_115 : vector<256xf32> to vector<256x1xf32>
    %eq3A_117 = vector.broadcast %broadcast_in_dim3A_116 : vector<256x1xf32> to vector<256x8xf32>
    %eq3A_118 = arith.cmpf oeq, %select_n3A_113, %eq3A_117 : vector<256x8xf32>
    %jit3A_119 = arith.constant 8 : i32
    %broadcast_in_dim3A_120 = vector.broadcast %jit3A_119 : i32 to vector<256x8xi32>
    %select_n3A_121 = arith.select %eq3A_118, %iota3A, %broadcast_in_dim3A_120 : vector<256x8xi1>, vector<256x8xi32>
    %reduce_min3A_122 = arith.constant dense<2147483647> : vector<256xi32>
    %reduce_min3A_123 = vector.multi_reduction <minsi>, %select_n3A_121, %reduce_min3A_122 [1] : vector<256x8xi32> to vector<256xi32>
    %broadcast_in_dim3A_124 = vector.shape_cast %reduce_min3A_123 : vector<256xi32> to vector<256x1xi32>
    %add3A_125 = arith.addf %broadcast_in_dim3A_104, %broadcast_in_dim3A_116 : vector<256x1xf32>
    %add3A_126 = arith.constant 9.99999968E-21 : f32
    %add3A_127 = vector.broadcast %add3A_126 : f32 to vector<256x1xf32>
    %add3A_128 = arith.addf %add3A_125, %add3A_127 : vector<256x1xf32>
    %concatenate3A_129 = tpu.concatenate %broadcast_in_dim3A_108, %broadcast_in_dim3A_124 in 1 : vector<256x1xi32>, vector<256x1xi32> -> vector<256x2xi32>
    %swap3A_130 = arith.constant 0 : index
    %swap3A_131 = arith.constant 0 : index
    %swap3A_132 = vector.load %arg9[%swap3A_130, %swap3A_131] : memref<256x2xi32, #tpu.memory_space<vmem>>, vector<256x2xi32>
    tpu.vector_store %arg9[%swap3A_130, %swap3A_131], %concatenate3A_129 {strides = array<i32>} : memref<256x2xi32, #tpu.memory_space<vmem>>, vector<256x2xi32>,
    %div3A_133 = arith.divf %broadcast_in_dim3A_104, %add3A_128 : vector<256x1xf32>
    %div3A_134 = arith.divf %broadcast_in_dim3A_116, %add3A_128 : vector<256x1xf32>
    %concatenate3A_135 = tpu.concatenate %div3A_133, %div3A_134 in 1 : vector<256x1xf32>, vector<256x1xf32> -> vector<256x2xf32>
    %swap3A_136 = arith.constant 0 : index
    %swap3A_137 = arith.constant 0 : index
    %swap3A_138 = vector.load %arg10[%swap3A_136, %swap3A_137] : memref<256x2xf32, #tpu.memory_space<vmem>>, vector<256x2xf32>
    tpu.vector_store %arg10[%swap3A_136, %swap3A_137], %concatenate3A_135 {strides = array<i32>} : memref<256x2xf32, #tpu.memory_space<vmem>>, vector<256x2xf32>,
    return
  }
  func.func @transform_0(%arg0: i32) -> (i32, i32) {
    %c0_i32 = arith.constant 0 : i32
    %c0_i32_0 = arith.constant 0 : i32
    return %arg0, %c0_i32 : i32, i32
  }
  func.func @transform_1(%arg0: i32) -> (i32, i32, i32) {
    %c0_i32 = arith.constant 0 : i32
    %c0_i32_0 = arith.constant 0 : i32
    %c0_i32_1 = arith.constant 0 : i32
    return %c0_i32, %arg0, %c0_i32_0 : i32, i32, i32
  }
  func.func @transform_2(%arg0: i32) -> (i32, i32) {
    %c0_i32 = arith.constant 0 : i32
    %c0_i32_0 = arith.constant 0 : i32
    %c0_i32_1 = arith.constant 0 : i32
    return %c0_i32, %c0_i32_0 : i32, i32
  }
  func.func @transform_3(%arg0: i32) -> (i32, i32) {
    %c0_i32 = arith.constant 0 : i32
    %c0_i32_0 = arith.constant 0 : i32
    %c0_i32_1 = arith.constant 0 : i32
    return %c0_i32, %c0_i32_0 : i32, i32
  }
  func.func @transform_4(%arg0: i32) -> (i32, i32) {
    %c0_i32 = arith.constant 0 : i32
    %c0_i32_0 = arith.constant 0 : i32
    %c0_i32_1 = arith.constant 0 : i32
    return %c0_i32, %c0_i32_0 : i32, i32
  }
  func.func @transform_5(%arg0: i32) -> (i32, i32) {
    %c0_i32 = arith.constant 0 : i32
    %c0_i32_0 = arith.constant 0 : i32
    %c0_i32_1 = arith.constant 0 : i32
    return %c0_i32, %c0_i32_0 : i32, i32
  }
  func.func @transform_6(%arg0: i32) -> (i32, i32) {
    %c0_i32 = arith.constant 0 : i32
    %c0_i32_0 = arith.constant 0 : i32
    return %arg0, %c0_i32 : i32, i32
  }
  func.func @transform_7(%arg0: i32) -> (i32, i32) {
    %c0_i32 = arith.constant 0 : i32
    %c0_i32_0 = arith.constant 0 : i32
    return %arg0, %c0_i32 : i32, i32
  }
  func.func @transform_8(%arg0: i32) -> (i32, i32) {
    %c0_i32 = arith.constant 0 : i32
    %c0_i32_0 = arith.constant 0 : i32
    return %arg0, %c0_i32 : i32, i32
  }
  func.func @transform_9(%arg0: i32) -> (i32, i32) {
    %c0_i32 = arith.constant 0 : i32
    %c0_i32_0 = arith.constant 0 : i32
    return %arg0, %c0_i32 : i32, i32
  }
}

module attributes {stable_mosaic.version = 14 : i64} {
  func.func @_attn_body(%arg0: i32, %arg1: i32, %arg2: i32, %arg3: memref<3x512x64xbf16, #tpu.memory_space<vmem>>, %arg4: memref<1x512x64xbf16, #tpu.memory_space<vmem>>, %arg5: memref<1x512x64xbf16, #tpu.memory_space<vmem>>, %arg6: memref<3x512x64xbf16, #tpu.memory_space<vmem>>, %arg7: memref<1536x64xf32, #tpu.memory_space<vmem>>, %arg8: memref<1536x1xf32, #tpu.memory_space<vmem>>) attributes {dimension_semantics = [#tpu.dimension_semantics<arbitrary>, #tpu.dimension_semantics<arbitrary>, #tpu.dimension_semantics<arbitrary>], iteration_bounds = array<i64: 4, 4, 4>, scalar_prefetch = 0 : i64, scratch_operands = 2 : i64, tpu.core_type = #tpu.core_type<tc>, window_params = [{transform_indices = @transform_0, window_bounds = array<i64: 3, 512, 64>}, {transform_indices = @transform_1, window_bounds = array<i64: 1, 512, 64>}, {transform_indices = @transform_2, window_bounds = array<i64: 1, 512, 64>}, {transform_indices = @transform_3, window_bounds = array<i64: 3, 512, 64>}]} {
    %eq3A = arith.constant 0 : i32
    %eq3A_0 = arith.cmpi eq, %arg2, %eq3A : i32
    %convert_element_type3A = arith.extui %eq3A_0 : i1 to i32
    %cond3A = arith.constant 0 : i32
    %cond3A_1 = arith.cmpi ne, %convert_element_type3A, %cond3A : i32
    scf.if %cond3A_1 {
      %broadcast_in_dim3A = arith.constant 0.000000e+00 : f32
      %broadcast_in_dim3A_9 = vector.broadcast %broadcast_in_dim3A : f32 to vector<1536x64xf32>
      %swap3A = arith.constant 0 : index
      %swap3A_10 = arith.constant 0 : index
      %swap3A_11 = vector.load %arg7[%swap3A, %swap3A_10] : memref<1536x64xf32, #tpu.memory_space<vmem>>, vector<1536x64xf32>
      tpu.vector_store %arg7[%swap3A, %swap3A_10], %broadcast_in_dim3A_9 {strides = array<i32>} : memref<1536x64xf32, #tpu.memory_space<vmem>>, vector<1536x64xf32>,
      %broadcast_in_dim3A_12 = arith.constant 0.000000e+00 : f32
      %broadcast_in_dim3A_13 = vector.broadcast %broadcast_in_dim3A_12 : f32 to vector<1536x1xf32>
      %swap3A_14 = arith.constant 0 : index
      %swap3A_15 = arith.constant 0 : index
      %swap3A_16 = vector.load %arg8[%swap3A_14, %swap3A_15] : memref<1536x1xf32, #tpu.memory_space<vmem>>, vector<1536x1xf32>
      tpu.vector_store %arg8[%swap3A_14, %swap3A_15], %broadcast_in_dim3A_13 {strides = array<i32>} : memref<1536x1xf32, #tpu.memory_space<vmem>>, vector<1536x1xf32>,
    } else {
    }
    %le3A = arith.cmpi sle, %arg2, %arg1 : i32
    %convert_element_type3A_2 = arith.extui %le3A : i1 to i32
    %cond3A_3 = arith.constant 0 : i32
    %cond3A_4 = arith.cmpi ne, %convert_element_type3A_2, %cond3A_3 : i32
    scf.if %cond3A_4 {
      %get3A = arith.constant 0 : index
      %get3A_9 = arith.constant 0 : index
      %get3A_10 = arith.constant 0 : index
      %get3A_11 = vector.load %arg3[%get3A, %get3A_9, %get3A_10] : memref<3x512x64xbf16, #tpu.memory_space<vmem>>, vector<3x512x64xbf16>
      %reshape3A = vector.shape_cast %get3A_11 : vector<3x512x64xbf16> to vector<1536x64xbf16>
      %get3A_12 = arith.constant 0 : index
      %get3A_13 = arith.constant 0 : index
      %get3A_14 = arith.constant 0 : index
      %get3A_15 = vector.load %arg4[%get3A_12, %get3A_13, %get3A_14] : memref<1x512x64xbf16, #tpu.memory_space<vmem>>, vector<1x512x64xbf16>
      %get3A_16 = vector.shape_cast %get3A_15 : vector<1x512x64xbf16> to vector<512x64xbf16>
      %dot_general3A = arith.constant dense<0.000000e+00> : vector<1536x512xf32>
      %dot_general3A_17 = tpu.matmul %reshape3A, %get3A_16, %dot_general3A {dimension_numbers = #tpu.dot_dimension_numbers<[1], [1], [0], [0], [0, 0, 1, 0], [], []>, transpose_lhs_hint = false} : vector<1536x64xbf16>, vector<512x64xbf16>, vector<1536x512xf32> -> vector<1536x512xf32>
      %iota3A = tpu.iota {dimensions = array<i32: 0>} : vector<1536x512xi32>
      %jit3A = arith.constant 512 : i32
      %eq3A_18 = arith.constant 0 : i32
      %eq3A_19 = arith.cmpi eq, %jit3A, %eq3A_18 : i32
      %jit3A_20 = arith.constant 1 : i32
      %select_n3A = arith.select %eq3A_19, %jit3A_20, %jit3A : i32
      %rem3A = vector.broadcast %select_n3A : i32 to vector<1536x512xi32>
      %rem3A_21 = arith.remsi %iota3A, %rem3A : vector<1536x512xi32>
      %ne3A = arith.constant 0 : i32
      %ne3A_22 = vector.broadcast %ne3A : i32 to vector<1536x512xi32>
      %ne3A_23 = arith.cmpi ne, %rem3A_21, %ne3A_22 : vector<1536x512xi32>
      %lt3A = arith.constant 0 : i32
      %lt3A_24 = vector.broadcast %lt3A : i32 to vector<1536x512xi32>
      %lt3A_25 = arith.cmpi slt, %rem3A_21, %lt3A_24 : vector<1536x512xi32>
      %lt3A_26 = arith.constant 0 : i32
      %lt3A_27 = arith.cmpi slt, %select_n3A, %lt3A_26 : i32
      %ne3A_28 = vector.broadcast %lt3A_27 : i1 to vector<1536x512xi1>
      %ne3A_29 = vector.broadcast %ne3A_28 : vector<1536x512xi1> to vector<1536x512xi1>
      %ne3A_30 = arith.xori %lt3A_25, %ne3A_29 : vector<1536x512xi1>
      %and3A = arith.andi %ne3A_30, %ne3A_23 : vector<1536x512xi1>
      %add3A = vector.broadcast %select_n3A : i32 to vector<1536x512xi32>
      %add3A_31 = arith.addi %rem3A_21, %add3A : vector<1536x512xi32>
      %select_n3A_32 = arith.select %and3A, %add3A_31, %rem3A_21 : vector<1536x512xi1>, vector<1536x512xi32>
      %iota3A_33 = tpu.iota {dimensions = array<i32: 1>} : vector<1536x512xi32>
      %mul3A = arith.constant 512 : i32
      %mul3A_34 = arith.muli %arg2, %mul3A : i32
      %add3A_35 = vector.broadcast %mul3A_34 : i32 to vector<1536x512xi32>
      %add3A_36 = arith.addi %add3A_35, %iota3A_33 : vector<1536x512xi32>
      %mul3A_37 = arith.constant 512 : i32
      %mul3A_38 = arith.muli %arg1, %mul3A_37 : i32
      %add3A_39 = vector.broadcast %mul3A_38 : i32 to vector<1536x512xi32>
      %add3A_40 = arith.addi %add3A_39, %select_n3A_32 : vector<1536x512xi32>
      %le3A_41 = arith.cmpi sle, %add3A_36, %add3A_40 : vector<1536x512xi32>
      %exp3A = math.exp %dot_general3A_17 : vector<1536x512xf32>
      %jit3A_42 = arith.constant 0.000000e+00 : f32
      %broadcast_in_dim3A = vector.broadcast %jit3A_42 : f32 to vector<1536x512xf32>
      %select_n3A_43 = arith.select %le3A_41, %exp3A, %broadcast_in_dim3A : vector<1536x512xi1>, vector<1536x512xf32>
      %get3A_44 = arith.constant 0 : index
      %get3A_45 = arith.constant 0 : index
      %get3A_46 = vector.load %arg8[%get3A_44, %get3A_45] : memref<1536x1xf32, #tpu.memory_space<vmem>>, vector<1536x1xf32>
      %reduce_sum3A = arith.constant dense<0.000000e+00> : vector<1536xf32>
      %reduce_sum3A_47 = vector.multi_reduction <add>, %select_n3A_43, %reduce_sum3A [1] : vector<1536x512xf32> to vector<1536xf32>
      %broadcast_in_dim3A_48 = vector.shape_cast %reduce_sum3A_47 : vector<1536xf32> to vector<1536x1xf32>
      %add3A_49 = arith.addf %get3A_46, %broadcast_in_dim3A_48 : vector<1536x1xf32>
      %swap3A = arith.constant 0 : index
      %swap3A_50 = arith.constant 0 : index
      %swap3A_51 = vector.load %arg8[%swap3A, %swap3A_50] : memref<1536x1xf32, #tpu.memory_space<vmem>>, vector<1536x1xf32>
      tpu.vector_store %arg8[%swap3A, %swap3A_50], %add3A_49 {strides = array<i32>} : memref<1536x1xf32, #tpu.memory_space<vmem>>, vector<1536x1xf32>,
      %get3A_52 = arith.constant 0 : index
      %get3A_53 = arith.constant 0 : index
      %get3A_54 = vector.load %arg7[%get3A_52, %get3A_53] : memref<1536x64xf32, #tpu.memory_space<vmem>>, vector<1536x64xf32>
      %convert_element_type3A_55 = arith.truncf %select_n3A_43 : vector<1536x512xf32> to vector<1536x512xbf16>
      %get3A_56 = arith.constant 0 : index
      %get3A_57 = arith.constant 0 : index
      %get3A_58 = arith.constant 0 : index
      %get3A_59 = vector.load %arg5[%get3A_56, %get3A_57, %get3A_58] : memref<1x512x64xbf16, #tpu.memory_space<vmem>>, vector<1x512x64xbf16>
      %get3A_60 = vector.shape_cast %get3A_59 : vector<1x512x64xbf16> to vector<512x64xbf16>
      %dot_general3A_61 = arith.constant dense<0.000000e+00> : vector<1536x64xf32>
      %dot_general3A_62 = tpu.matmul %convert_element_type3A_55, %get3A_60, %dot_general3A_61 {dimension_numbers = #tpu.dot_dimension_numbers<[1], [0], [0], [1], [0, 0, 1, 1], [], []>, transpose_lhs_hint = false} : vector<1536x512xbf16>, vector<512x64xbf16>, vector<1536x64xf32> -> vector<1536x64xf32>
      %add3A_63 = arith.addf %get3A_54, %dot_general3A_62 : vector<1536x64xf32>
      %swap3A_64 = arith.constant 0 : index
      %swap3A_65 = arith.constant 0 : index
      %swap3A_66 = vector.load %arg7[%swap3A_64, %swap3A_65] : memref<1536x64xf32, #tpu.memory_space<vmem>>, vector<1536x64xf32>
      tpu.vector_store %arg7[%swap3A_64, %swap3A_65], %add3A_63 {strides = array<i32>} : memref<1536x64xf32, #tpu.memory_space<vmem>>, vector<1536x64xf32>,
    } else {
    }
    %eq3A_5 = arith.cmpi eq, %arg2, %arg1 : i32
    %convert_element_type3A_6 = arith.extui %eq3A_5 : i1 to i32
    %cond3A_7 = arith.constant 0 : i32
    %cond3A_8 = arith.cmpi ne, %convert_element_type3A_6, %cond3A_7 : i32
    scf.if %cond3A_8 {
      %get3A = arith.constant 0 : index
      %get3A_9 = arith.constant 0 : index
      %get3A_10 = vector.load %arg7[%get3A, %get3A_9] : memref<1536x64xf32, #tpu.memory_space<vmem>>, vector<1536x64xf32>
      %get3A_11 = arith.constant 0 : index
      %get3A_12 = arith.constant 0 : index
      %get3A_13 = vector.load %arg8[%get3A_11, %get3A_12] : memref<1536x1xf32, #tpu.memory_space<vmem>>, vector<1536x1xf32>
      %div3A = vector.broadcast %get3A_13 : vector<1536x1xf32> to vector<1536x64xf32>
      %div3A_14 = arith.divf %get3A_10, %div3A : vector<1536x64xf32>
      %reshape3A = vector.shape_cast %div3A_14 : vector<1536x64xf32> to vector<3x512x64xf32>
      %convert_element_type3A_15 = arith.truncf %reshape3A : vector<3x512x64xf32> to vector<3x512x64xbf16>
      %swap3A = arith.constant 0 : index
      %swap3A_16 = arith.constant 0 : index
      %swap3A_17 = arith.constant 0 : index
      %swap3A_18 = vector.load %arg6[%swap3A, %swap3A_16, %swap3A_17] : memref<3x512x64xbf16, #tpu.memory_space<vmem>>, vector<3x512x64xbf16>
      tpu.vector_store %arg6[%swap3A, %swap3A_16, %swap3A_17], %convert_element_type3A_15 {strides = array<i32>} : memref<3x512x64xbf16, #tpu.memory_space<vmem>>, vector<3x512x64xbf16>,
    } else {
    }
    return
  }
  func.func @transform_0(%arg0: i32, %arg1: i32, %arg2: i32) -> (i32, i32, i32) {
    %c0_i32 = arith.constant 0 : i32
    %c0_i32_0 = arith.constant 0 : i32
    return %arg0, %arg1, %c0_i32 : i32, i32, i32
  }
  func.func @transform_1(%arg0: i32, %arg1: i32, %arg2: i32) -> (i32, i32, i32) {
    %min3A = arith.minsi %arg1, %arg2 : i32
    %c0_i32 = arith.constant 0 : i32
    %c0_i32_0 = arith.constant 0 : i32
    return %arg0, %min3A, %c0_i32 : i32, i32, i32
  }
  func.func @transform_2(%arg0: i32, %arg1: i32, %arg2: i32) -> (i32, i32, i32) {
    %min3A = arith.minsi %arg1, %arg2 : i32
    %c0_i32 = arith.constant 0 : i32
    %c0_i32_0 = arith.constant 0 : i32
    return %arg0, %min3A, %c0_i32 : i32, i32, i32
  }
  func.func @transform_3(%arg0: i32, %arg1: i32, %arg2: i32) -> (i32, i32, i32) {
    %c0_i32 = arith.constant 0 : i32
    %c0_i32_0 = arith.constant 0 : i32
    return %arg0, %arg1, %c0_i32 : i32, i32, i32
  }
}

module attributes {stable_mosaic.version = 14 : i64} {
  func.func @_route_body(%arg0: i32, %arg1: memref<4096x1xi32, #tpu.memory_space<vmem>>, %arg2: memref<4096x1xi32, #tpu.memory_space<vmem>>, %arg3: memref<1x40xi32, #tpu.memory_space<vmem>>, %arg4: memref<1x40xi32, #tpu.memory_space<vmem>>, %arg5: memref<4096x8xf32, #tpu.memory_space<vmem>>) attributes {dimension_semantics = [#tpu.dimension_semantics<arbitrary>], iteration_bounds = array<i64: 1>, scalar_prefetch = 0 : i64, scratch_operands = 1 : i64, tpu.core_type = #tpu.core_type<tc>, window_params = [{pipeline_mode = #tpu.pipeline_mode<synchronous>, transform_indices = @transform_0, window_bounds = array<i64: 4096, 1>}, {pipeline_mode = #tpu.pipeline_mode<synchronous>, transform_indices = @transform_1, window_bounds = array<i64: 4096, 1>}, {pipeline_mode = #tpu.pipeline_mode<synchronous>, transform_indices = @transform_2, window_bounds = array<i64: 1, 40>}, {pipeline_mode = #tpu.pipeline_mode<synchronous>, transform_indices = @transform_3, window_bounds = array<i64: 1, 40>}]} {
    %get3A = arith.constant 0 : index
    %get3A_0 = arith.constant 0 : index
    %get3A_1 = vector.load %arg1[%get3A, %get3A_0] : memref<4096x1xi32, #tpu.memory_space<vmem>>, vector<4096x1xi32>
    %iota3A = tpu.iota {dimensions = array<i32: 1>} : vector<4096x8xi32>
    %eq3A = vector.broadcast %get3A_1 : vector<4096x1xi32> to vector<4096x8xi32>
    %eq3A_2 = arith.cmpi eq, %eq3A, %iota3A : vector<4096x8xi32>
    %convert_element_type3A = arith.extui %eq3A_2 : vector<4096x8xi1> to vector<4096x8xi32>
    %convert_element_type3A_3 = arith.sitofp %convert_element_type3A : vector<4096x8xi32> to vector<4096x8xf32>
    %iota3A_4 = tpu.iota {dimensions = array<i32: 0>} : vector<512x512xi32>
    %iota3A_5 = tpu.iota {dimensions = array<i32: 1>} : vector<512x512xi32>
    %le3A = arith.cmpi sle, %iota3A_5, %iota3A_4 : vector<512x512xi32>
    %convert_element_type3A_6 = arith.extui %le3A : vector<512x512xi1> to vector<512x512xi32>
    %convert_element_type3A_7 = arith.sitofp %convert_element_type3A_6 : vector<512x512xi32> to vector<512x512xf32>
    %broadcast_in_dim3A = arith.constant 0.000000e+00 : f32
    %broadcast_in_dim3A_8 = vector.broadcast %broadcast_in_dim3A : f32 to vector<1x8xf32>
    %slice3A = vector.extract_strided_slice %convert_element_type3A_3 {offsets = [0, 0], sizes = [512, 8], strides = [1, 1]} : vector<4096x8xf32> to vector<512x8xf32>
    %dot_general3A = arith.constant dense<0.000000e+00> : vector<512x8xf32>
    %dot_general3A_9 = tpu.matmul %convert_element_type3A_7, %slice3A, %dot_general3A {dimension_numbers = #tpu.dot_dimension_numbers<[1], [0], [0], [1], [0, 0, 1, 1], [], []>, transpose_lhs_hint = false} : vector<512x512xf32>, vector<512x8xf32>, vector<512x8xf32> -> vector<512x8xf32>
    %add3A = vector.broadcast %broadcast_in_dim3A_8 : vector<1x8xf32> to vector<512x8xf32>
    %add3A_10 = arith.addf %dot_general3A_9, %add3A : vector<512x8xf32>
    %swap3A = arith.constant 0 : index
    %swap3A_11 = arith.constant 0 : index
    %swap3A_12 = vector.load %arg5[%swap3A, %swap3A_11] : memref<4096x8xf32, #tpu.memory_space<vmem>>, vector<512x8xf32>
    tpu.vector_store %arg5[%swap3A, %swap3A_11], %add3A_10 {strides = array<i32>} : memref<4096x8xf32, #tpu.memory_space<vmem>>, vector<512x8xf32>,
    %reduce_sum3A = arith.constant dense<0.000000e+00> : vector<8xf32>
    %reduce_sum3A_13 = vector.multi_reduction <add>, %slice3A, %reduce_sum3A [0] : vector<512x8xf32> to vector<8xf32>
    %broadcast_in_dim3A_14 = vector.shape_cast %reduce_sum3A_13 : vector<8xf32> to vector<1x8xf32>
    %add3A_15 = arith.addf %broadcast_in_dim3A_8, %broadcast_in_dim3A_14 : vector<1x8xf32>
    %slice3A_16 = vector.extract_strided_slice %convert_element_type3A_3 {offsets = [512, 0], sizes = [512, 8], strides = [1, 1]} : vector<4096x8xf32> to vector<512x8xf32>
    %dot_general3A_17 = arith.constant dense<0.000000e+00> : vector<512x8xf32>
    %dot_general3A_18 = tpu.matmul %convert_element_type3A_7, %slice3A_16, %dot_general3A_17 {dimension_numbers = #tpu.dot_dimension_numbers<[1], [0], [0], [1], [0, 0, 1, 1], [], []>, transpose_lhs_hint = false} : vector<512x512xf32>, vector<512x8xf32>, vector<512x8xf32> -> vector<512x8xf32>
    %add3A_19 = vector.broadcast %add3A_15 : vector<1x8xf32> to vector<512x8xf32>
    %add3A_20 = arith.addf %dot_general3A_18, %add3A_19 : vector<512x8xf32>
    %swap3A_21 = arith.constant 512 : index
    %swap3A_22 = arith.constant 0 : index
    %swap3A_23 = vector.load %arg5[%swap3A_21, %swap3A_22] : memref<4096x8xf32, #tpu.memory_space<vmem>>, vector<512x8xf32>
    tpu.vector_store %arg5[%swap3A_21, %swap3A_22], %add3A_20 {strides = array<i32>} : memref<4096x8xf32, #tpu.memory_space<vmem>>, vector<512x8xf32>,
    %reduce_sum3A_24 = arith.constant dense<0.000000e+00> : vector<8xf32>
    %reduce_sum3A_25 = vector.multi_reduction <add>, %slice3A_16, %reduce_sum3A_24 [0] : vector<512x8xf32> to vector<8xf32>
    %broadcast_in_dim3A_26 = vector.shape_cast %reduce_sum3A_25 : vector<8xf32> to vector<1x8xf32>
    %add3A_27 = arith.addf %add3A_15, %broadcast_in_dim3A_26 : vector<1x8xf32>
    %slice3A_28 = vector.extract_strided_slice %convert_element_type3A_3 {offsets = [1024, 0], sizes = [512, 8], strides = [1, 1]} : vector<4096x8xf32> to vector<512x8xf32>
    %dot_general3A_29 = arith.constant dense<0.000000e+00> : vector<512x8xf32>
    %dot_general3A_30 = tpu.matmul %convert_element_type3A_7, %slice3A_28, %dot_general3A_29 {dimension_numbers = #tpu.dot_dimension_numbers<[1], [0], [0], [1], [0, 0, 1, 1], [], []>, transpose_lhs_hint = false} : vector<512x512xf32>, vector<512x8xf32>, vector<512x8xf32> -> vector<512x8xf32>
    %add3A_31 = vector.broadcast %add3A_27 : vector<1x8xf32> to vector<512x8xf32>
    %add3A_32 = arith.addf %dot_general3A_30, %add3A_31 : vector<512x8xf32>
    %swap3A_33 = arith.constant 1024 : index
    %swap3A_34 = arith.constant 0 : index
    %swap3A_35 = vector.load %arg5[%swap3A_33, %swap3A_34] : memref<4096x8xf32, #tpu.memory_space<vmem>>, vector<512x8xf32>
    tpu.vector_store %arg5[%swap3A_33, %swap3A_34], %add3A_32 {strides = array<i32>} : memref<4096x8xf32, #tpu.memory_space<vmem>>, vector<512x8xf32>,
    %reduce_sum3A_36 = arith.constant dense<0.000000e+00> : vector<8xf32>
    %reduce_sum3A_37 = vector.multi_reduction <add>, %slice3A_28, %reduce_sum3A_36 [0] : vector<512x8xf32> to vector<8xf32>
    %broadcast_in_dim3A_38 = vector.shape_cast %reduce_sum3A_37 : vector<8xf32> to vector<1x8xf32>
    %add3A_39 = arith.addf %add3A_27, %broadcast_in_dim3A_38 : vector<1x8xf32>
    %slice3A_40 = vector.extract_strided_slice %convert_element_type3A_3 {offsets = [1536, 0], sizes = [512, 8], strides = [1, 1]} : vector<4096x8xf32> to vector<512x8xf32>
    %dot_general3A_41 = arith.constant dense<0.000000e+00> : vector<512x8xf32>
    %dot_general3A_42 = tpu.matmul %convert_element_type3A_7, %slice3A_40, %dot_general3A_41 {dimension_numbers = #tpu.dot_dimension_numbers<[1], [0], [0], [1], [0, 0, 1, 1], [], []>, transpose_lhs_hint = false} : vector<512x512xf32>, vector<512x8xf32>, vector<512x8xf32> -> vector<512x8xf32>
    %add3A_43 = vector.broadcast %add3A_39 : vector<1x8xf32> to vector<512x8xf32>
    %add3A_44 = arith.addf %dot_general3A_42, %add3A_43 : vector<512x8xf32>
    %swap3A_45 = arith.constant 1536 : index
    %swap3A_46 = arith.constant 0 : index
    %swap3A_47 = vector.load %arg5[%swap3A_45, %swap3A_46] : memref<4096x8xf32, #tpu.memory_space<vmem>>, vector<512x8xf32>
    tpu.vector_store %arg5[%swap3A_45, %swap3A_46], %add3A_44 {strides = array<i32>} : memref<4096x8xf32, #tpu.memory_space<vmem>>, vector<512x8xf32>,
    %reduce_sum3A_48 = arith.constant dense<0.000000e+00> : vector<8xf32>
    %reduce_sum3A_49 = vector.multi_reduction <add>, %slice3A_40, %reduce_sum3A_48 [0] : vector<512x8xf32> to vector<8xf32>
    %broadcast_in_dim3A_50 = vector.shape_cast %reduce_sum3A_49 : vector<8xf32> to vector<1x8xf32>
    %add3A_51 = arith.addf %add3A_39, %broadcast_in_dim3A_50 : vector<1x8xf32>
    %slice3A_52 = vector.extract_strided_slice %convert_element_type3A_3 {offsets = [2048, 0], sizes = [512, 8], strides = [1, 1]} : vector<4096x8xf32> to vector<512x8xf32>
    %dot_general3A_53 = arith.constant dense<0.000000e+00> : vector<512x8xf32>
    %dot_general3A_54 = tpu.matmul %convert_element_type3A_7, %slice3A_52, %dot_general3A_53 {dimension_numbers = #tpu.dot_dimension_numbers<[1], [0], [0], [1], [0, 0, 1, 1], [], []>, transpose_lhs_hint = false} : vector<512x512xf32>, vector<512x8xf32>, vector<512x8xf32> -> vector<512x8xf32>
    %add3A_55 = vector.broadcast %add3A_51 : vector<1x8xf32> to vector<512x8xf32>
    %add3A_56 = arith.addf %dot_general3A_54, %add3A_55 : vector<512x8xf32>
    %swap3A_57 = arith.constant 2048 : index
    %swap3A_58 = arith.constant 0 : index
    %swap3A_59 = vector.load %arg5[%swap3A_57, %swap3A_58] : memref<4096x8xf32, #tpu.memory_space<vmem>>, vector<512x8xf32>
    tpu.vector_store %arg5[%swap3A_57, %swap3A_58], %add3A_56 {strides = array<i32>} : memref<4096x8xf32, #tpu.memory_space<vmem>>, vector<512x8xf32>,
    %reduce_sum3A_60 = arith.constant dense<0.000000e+00> : vector<8xf32>
    %reduce_sum3A_61 = vector.multi_reduction <add>, %slice3A_52, %reduce_sum3A_60 [0] : vector<512x8xf32> to vector<8xf32>
    %broadcast_in_dim3A_62 = vector.shape_cast %reduce_sum3A_61 : vector<8xf32> to vector<1x8xf32>
    %add3A_63 = arith.addf %add3A_51, %broadcast_in_dim3A_62 : vector<1x8xf32>
    %slice3A_64 = vector.extract_strided_slice %convert_element_type3A_3 {offsets = [2560, 0], sizes = [512, 8], strides = [1, 1]} : vector<4096x8xf32> to vector<512x8xf32>
    %dot_general3A_65 = arith.constant dense<0.000000e+00> : vector<512x8xf32>
    %dot_general3A_66 = tpu.matmul %convert_element_type3A_7, %slice3A_64, %dot_general3A_65 {dimension_numbers = #tpu.dot_dimension_numbers<[1], [0], [0], [1], [0, 0, 1, 1], [], []>, transpose_lhs_hint = false} : vector<512x512xf32>, vector<512x8xf32>, vector<512x8xf32> -> vector<512x8xf32>
    %add3A_67 = vector.broadcast %add3A_63 : vector<1x8xf32> to vector<512x8xf32>
    %add3A_68 = arith.addf %dot_general3A_66, %add3A_67 : vector<512x8xf32>
    %swap3A_69 = arith.constant 2560 : index
    %swap3A_70 = arith.constant 0 : index
    %swap3A_71 = vector.load %arg5[%swap3A_69, %swap3A_70] : memref<4096x8xf32, #tpu.memory_space<vmem>>, vector<512x8xf32>
    tpu.vector_store %arg5[%swap3A_69, %swap3A_70], %add3A_68 {strides = array<i32>} : memref<4096x8xf32, #tpu.memory_space<vmem>>, vector<512x8xf32>,
    %reduce_sum3A_72 = arith.constant dense<0.000000e+00> : vector<8xf32>
    %reduce_sum3A_73 = vector.multi_reduction <add>, %slice3A_64, %reduce_sum3A_72 [0] : vector<512x8xf32> to vector<8xf32>
    %broadcast_in_dim3A_74 = vector.shape_cast %reduce_sum3A_73 : vector<8xf32> to vector<1x8xf32>
    %add3A_75 = arith.addf %add3A_63, %broadcast_in_dim3A_74 : vector<1x8xf32>
    %slice3A_76 = vector.extract_strided_slice %convert_element_type3A_3 {offsets = [3072, 0], sizes = [512, 8], strides = [1, 1]} : vector<4096x8xf32> to vector<512x8xf32>
    %dot_general3A_77 = arith.constant dense<0.000000e+00> : vector<512x8xf32>
    %dot_general3A_78 = tpu.matmul %convert_element_type3A_7, %slice3A_76, %dot_general3A_77 {dimension_numbers = #tpu.dot_dimension_numbers<[1], [0], [0], [1], [0, 0, 1, 1], [], []>, transpose_lhs_hint = false} : vector<512x512xf32>, vector<512x8xf32>, vector<512x8xf32> -> vector<512x8xf32>
    %add3A_79 = vector.broadcast %add3A_75 : vector<1x8xf32> to vector<512x8xf32>
    %add3A_80 = arith.addf %dot_general3A_78, %add3A_79 : vector<512x8xf32>
    %swap3A_81 = arith.constant 3072 : index
    %swap3A_82 = arith.constant 0 : index
    %swap3A_83 = vector.load %arg5[%swap3A_81, %swap3A_82] : memref<4096x8xf32, #tpu.memory_space<vmem>>, vector<512x8xf32>
    tpu.vector_store %arg5[%swap3A_81, %swap3A_82], %add3A_80 {strides = array<i32>} : memref<4096x8xf32, #tpu.memory_space<vmem>>, vector<512x8xf32>,
    %reduce_sum3A_84 = arith.constant dense<0.000000e+00> : vector<8xf32>
    %reduce_sum3A_85 = vector.multi_reduction <add>, %slice3A_76, %reduce_sum3A_84 [0] : vector<512x8xf32> to vector<8xf32>
    %broadcast_in_dim3A_86 = vector.shape_cast %reduce_sum3A_85 : vector<8xf32> to vector<1x8xf32>
    %add3A_87 = arith.addf %add3A_75, %broadcast_in_dim3A_86 : vector<1x8xf32>
    %slice3A_88 = vector.extract_strided_slice %convert_element_type3A_3 {offsets = [3584, 0], sizes = [512, 8], strides = [1, 1]} : vector<4096x8xf32> to vector<512x8xf32>
    %dot_general3A_89 = arith.constant dense<0.000000e+00> : vector<512x8xf32>
    %dot_general3A_90 = tpu.matmul %convert_element_type3A_7, %slice3A_88, %dot_general3A_89 {dimension_numbers = #tpu.dot_dimension_numbers<[1], [0], [0], [1], [0, 0, 1, 1], [], []>, transpose_lhs_hint = false} : vector<512x512xf32>, vector<512x8xf32>, vector<512x8xf32> -> vector<512x8xf32>
    %add3A_91 = vector.broadcast %add3A_87 : vector<1x8xf32> to vector<512x8xf32>
    %add3A_92 = arith.addf %dot_general3A_90, %add3A_91 : vector<512x8xf32>
    %swap3A_93 = arith.constant 3584 : index
    %swap3A_94 = arith.constant 0 : index
    %swap3A_95 = vector.load %arg5[%swap3A_93, %swap3A_94] : memref<4096x8xf32, #tpu.memory_space<vmem>>, vector<512x8xf32>
    tpu.vector_store %arg5[%swap3A_93, %swap3A_94], %add3A_92 {strides = array<i32>} : memref<4096x8xf32, #tpu.memory_space<vmem>>, vector<512x8xf32>,
    %reduce_sum3A_96 = arith.constant dense<0.000000e+00> : vector<8xf32>
    %reduce_sum3A_97 = vector.multi_reduction <add>, %slice3A_88, %reduce_sum3A_96 [0] : vector<512x8xf32> to vector<8xf32>
    %broadcast_in_dim3A_98 = vector.shape_cast %reduce_sum3A_97 : vector<8xf32> to vector<1x8xf32>
    %add3A_99 = arith.addf %add3A_87, %broadcast_in_dim3A_98 : vector<1x8xf32>
    %convert_element_type3A_100 = arith.fptosi %add3A_99 : vector<1x8xf32> to vector<1x8xi32>
    %add3A_101 = arith.constant 127 : i32
    %add3A_102 = vector.broadcast %add3A_101 : i32 to vector<1x8xi32>
    %add3A_103 = arith.addi %convert_element_type3A_100, %add3A_102 : vector<1x8xi32>
    %jit3A = arith.constant 128 : i32
    %div3A = vector.broadcast %jit3A : i32 to vector<1x8xi32>
    %div3A_104 = arith.divsi %add3A_103, %div3A : vector<1x8xi32>
    %sign3A = arith.constant 0 : i32
    %sign3A_105 = vector.broadcast %sign3A : i32 to vector<1x8xi32>
    %sign3A_106 = arith.cmpi sgt, %add3A_103, %sign3A_105 : vector<1x8xi32>
    %sign3A_107 = arith.extui %sign3A_106 : vector<1x8xi1> to vector<1x8xi32>
    %sign3A_108 = arith.constant 0 : i32
    %sign3A_109 = vector.broadcast %sign3A_108 : i32 to vector<1x8xi32>
    %sign3A_110 = arith.cmpi slt, %add3A_103, %sign3A_109 : vector<1x8xi32>
    %sign3A_111 = arith.extui %sign3A_110 : vector<1x8xi1> to vector<1x8xi32>
    %sign3A_112 = arith.subi %sign3A_107, %sign3A_111 : vector<1x8xi32>
    %sign3A_113 = arith.constant 0 : i32
    %sign3A_114 = arith.cmpi sgt, %jit3A, %sign3A_113 : i32
    %sign3A_115 = arith.extui %sign3A_114 : i1 to i32
    %sign3A_116 = arith.constant 0 : i32
    %sign3A_117 = arith.cmpi slt, %jit3A, %sign3A_116 : i32
    %sign3A_118 = arith.extui %sign3A_117 : i1 to i32
    %sign3A_119 = arith.subi %sign3A_115, %sign3A_118 : i32
    %ne3A = vector.broadcast %sign3A_119 : i32 to vector<1x8xi32>
    %ne3A_120 = arith.cmpi ne, %sign3A_112, %ne3A : vector<1x8xi32>
    %rem3A = vector.broadcast %jit3A : i32 to vector<1x8xi32>
    %rem3A_121 = arith.remsi %add3A_103, %rem3A : vector<1x8xi32>
    %ne3A_122 = arith.constant 0 : i32
    %ne3A_123 = vector.broadcast %ne3A_122 : i32 to vector<1x8xi32>
    %ne3A_124 = arith.cmpi ne, %rem3A_121, %ne3A_123 : vector<1x8xi32>
    %and3A = arith.andi %ne3A_120, %ne3A_124 : vector<1x8xi1>
    %sub3A = arith.constant 1 : i32
    %sub3A_125 = vector.broadcast %sub3A : i32 to vector<1x8xi32>
    %sub3A_126 = arith.subi %div3A_104, %sub3A_125 : vector<1x8xi32>
    %select_n3A = arith.select %and3A, %sub3A_126, %div3A_104 : vector<1x8xi1>, vector<1x8xi32>
    %mul3A = arith.constant 128 : i32
    %mul3A_127 = vector.broadcast %mul3A : i32 to vector<1x8xi32>
    %mul3A_128 = arith.muli %select_n3A, %mul3A_127 : vector<1x8xi32>
    %iota3A_129 = tpu.iota {dimensions = array<i32: 0>} : vector<8x8xi32>
    %iota3A_130 = tpu.iota {dimensions = array<i32: 1>} : vector<8x8xi32>
    %lt3A = arith.cmpi slt, %iota3A_129, %iota3A_130 : vector<8x8xi32>
    %convert_element_type3A_131 = arith.extui %lt3A : vector<8x8xi1> to vector<8x8xi32>
    %convert_element_type3A_132 = arith.sitofp %convert_element_type3A_131 : vector<8x8xi32> to vector<8x8xf32>
    %convert_element_type3A_133 = arith.sitofp %mul3A_128 : vector<1x8xi32> to vector<1x8xf32>
    %dot_general3A_134 = arith.constant dense<0.000000e+00> : vector<1x8xf32>
    %dot_general3A_135 = tpu.matmul %convert_element_type3A_133, %convert_element_type3A_132, %dot_general3A_134 {dimension_numbers = #tpu.dot_dimension_numbers<[1], [0], [0], [1], [0, 0, 1, 1], [], []>, transpose_lhs_hint = false} : vector<1x8xf32>, vector<8x8xf32>, vector<1x8xf32> -> vector<1x8xf32>
    %convert_element_type3A_136 = arith.fptosi %dot_general3A_135 : vector<1x8xf32> to vector<1x8xi32>
    %get3A_137 = arith.constant 0 : index
    %get3A_138 = arith.constant 0 : index
    %get3A_139 = vector.load %arg5[%get3A_137, %get3A_138] : memref<4096x8xf32, #tpu.memory_space<vmem>>, vector<4096x8xf32>
    %eq3A_140 = vector.broadcast %get3A_1 : vector<4096x1xi32> to vector<4096x8xi32>
    %eq3A_141 = arith.cmpi eq, %eq3A_140, %iota3A : vector<4096x8xi32>
    %convert_element_type3A_142 = arith.sitofp %convert_element_type3A_136 : vector<1x8xi32> to vector<1x8xf32>
    %add3A_143 = vector.broadcast %convert_element_type3A_142 : vector<1x8xf32> to vector<4096x8xf32>
    %add3A_144 = arith.addf %add3A_143, %get3A_139 : vector<4096x8xf32>
    %sub3A_145 = arith.constant 1.000000e+00 : f32
    %sub3A_146 = vector.broadcast %sub3A_145 : f32 to vector<4096x8xf32>
    %sub3A_147 = arith.subf %add3A_144, %sub3A_146 : vector<4096x8xf32>
    %jit3A_148 = arith.constant 0.000000e+00 : f32
    %broadcast_in_dim3A_149 = vector.broadcast %jit3A_148 : f32 to vector<4096x8xf32>
    %select_n3A_150 = arith.select %eq3A_141, %sub3A_147, %broadcast_in_dim3A_149 : vector<4096x8xi1>, vector<4096x8xf32>
    %reduce_sum3A_151 = arith.constant dense<0.000000e+00> : vector<4096xf32>
    %reduce_sum3A_152 = vector.multi_reduction <add>, %select_n3A_150, %reduce_sum3A_151 [1] : vector<4096x8xf32> to vector<4096xf32>
    %broadcast_in_dim3A_153 = vector.shape_cast %reduce_sum3A_152 : vector<4096xf32> to vector<4096x1xf32>
    %convert_element_type3A_154 = arith.fptosi %broadcast_in_dim3A_153 : vector<4096x1xf32> to vector<4096x1xi32>
    %swap3A_155 = arith.constant 0 : index
    %swap3A_156 = arith.constant 0 : index
    %swap3A_157 = vector.load %arg2[%swap3A_155, %swap3A_156] : memref<4096x1xi32, #tpu.memory_space<vmem>>, vector<4096x1xi32>
    tpu.vector_store %arg2[%swap3A_155, %swap3A_156], %convert_element_type3A_154 {strides = array<i32>} : memref<4096x1xi32, #tpu.memory_space<vmem>>, vector<4096x1xi32>,
    %add3A_158 = arith.addi %convert_element_type3A_136, %mul3A_128 : vector<1x8xi32>
    %iota3A_159 = tpu.iota {dimensions = array<i32: 1>} : vector<1x8xi32>
    %iota3A_160 = tpu.iota {dimensions = array<i32: 1>} : vector<1x40xi32>
    %mul3A_161 = arith.constant 128 : i32
    %mul3A_162 = vector.broadcast %mul3A_161 : i32 to vector<1x40xi32>
    %mul3A_163 = arith.muli %iota3A_160, %mul3A_162 : vector<1x40xi32>
    %broadcast_in_dim3A_164 = arith.constant 0 : i32
    %broadcast_in_dim3A_165 = vector.broadcast %broadcast_in_dim3A_164 : i32 to vector<1x40xi32>
    %eq3A_166 = arith.constant 0 : i32
    %eq3A_167 = vector.broadcast %eq3A_166 : i32 to vector<1x8xi32>
    %eq3A_168 = arith.cmpi eq, %iota3A_159, %eq3A_167 : vector<1x8xi32>
    %jit3A_169 = arith.constant 0 : i32
    %broadcast_in_dim3A_170 = vector.broadcast %jit3A_169 : i32 to vector<1x8xi32>
    %select_n3A_171 = arith.select %eq3A_168, %add3A_158, %broadcast_in_dim3A_170 : vector<1x8xi1>, vector<1x8xi32>
    %reduce_sum3A_172 = vector.shape_cast %select_n3A_171 : vector<1x8xi32> to vector<1x1x8xi32>
    %reduce_sum3A_173 = arith.constant dense<0> : vector<1xi32>
    %reduce_sum3A_174 = vector.multi_reduction <add>, %reduce_sum3A_172, %reduce_sum3A_173 [1, 2] : vector<1x1x8xi32> to vector<1xi32>
    %reduce_sum3A_175 = vector.shape_cast %reduce_sum3A_174 : vector<1xi32> to vector<1x1x1xi32>
    %reduce_sum3A_176 = vector.extract %reduce_sum3A_175[0, 0, 0] : i32 from vector<1x1x1xi32>
    %ge3A = vector.broadcast %reduce_sum3A_176 : i32 to vector<1x40xi32>
    %ge3A_177 = arith.cmpi sge, %mul3A_163, %ge3A : vector<1x40xi32>
    %jit3A_178 = arith.constant 1 : i32
    %jit3A_179 = arith.constant 0 : i32
    %broadcast_in_dim3A_180 = vector.broadcast %jit3A_178 : i32 to vector<1x40xi32>
    %broadcast_in_dim3A_181 = vector.broadcast %jit3A_179 : i32 to vector<1x40xi32>
    %select_n3A_182 = arith.select %ge3A_177, %broadcast_in_dim3A_180, %broadcast_in_dim3A_181 : vector<1x40xi1>, vector<1x40xi32>
    %add3A_183 = arith.addi %broadcast_in_dim3A_165, %select_n3A_182 : vector<1x40xi32>
    %eq3A_184 = arith.constant 1 : i32
    %eq3A_185 = vector.broadcast %eq3A_184 : i32 to vector<1x8xi32>
    %eq3A_186 = arith.cmpi eq, %iota3A_159, %eq3A_185 : vector<1x8xi32>
    %jit3A_187 = arith.constant 0 : i32
    %broadcast_in_dim3A_188 = vector.broadcast %jit3A_187 : i32 to vector<1x8xi32>
    %select_n3A_189 = arith.select %eq3A_186, %add3A_158, %broadcast_in_dim3A_188 : vector<1x8xi1>, vector<1x8xi32>
    %reduce_sum3A_190 = vector.shape_cast %select_n3A_189 : vector<1x8xi32> to vector<1x1x8xi32>
    %reduce_sum3A_191 = arith.constant dense<0> : vector<1xi32>
    %reduce_sum3A_192 = vector.multi_reduction <add>, %reduce_sum3A_190, %reduce_sum3A_191 [1, 2] : vector<1x1x8xi32> to vector<1xi32>
    %reduce_sum3A_193 = vector.shape_cast %reduce_sum3A_192 : vector<1xi32> to vector<1x1x1xi32>
    %reduce_sum3A_194 = vector.extract %reduce_sum3A_193[0, 0, 0] : i32 from vector<1x1x1xi32>
    %ge3A_195 = vector.broadcast %reduce_sum3A_194 : i32 to vector<1x40xi32>
    %ge3A_196 = arith.cmpi sge, %mul3A_163, %ge3A_195 : vector<1x40xi32>
    %jit3A_197 = arith.constant 1 : i32
    %jit3A_198 = arith.constant 0 : i32
    %broadcast_in_dim3A_199 = vector.broadcast %jit3A_197 : i32 to vector<1x40xi32>
    %broadcast_in_dim3A_200 = vector.broadcast %jit3A_198 : i32 to vector<1x40xi32>
    %select_n3A_201 = arith.select %ge3A_196, %broadcast_in_dim3A_199, %broadcast_in_dim3A_200 : vector<1x40xi1>, vector<1x40xi32>
    %add3A_202 = arith.addi %add3A_183, %select_n3A_201 : vector<1x40xi32>
    %eq3A_203 = arith.constant 2 : i32
    %eq3A_204 = vector.broadcast %eq3A_203 : i32 to vector<1x8xi32>
    %eq3A_205 = arith.cmpi eq, %iota3A_159, %eq3A_204 : vector<1x8xi32>
    %jit3A_206 = arith.constant 0 : i32
    %broadcast_in_dim3A_207 = vector.broadcast %jit3A_206 : i32 to vector<1x8xi32>
    %select_n3A_208 = arith.select %eq3A_205, %add3A_158, %broadcast_in_dim3A_207 : vector<1x8xi1>, vector<1x8xi32>
    %reduce_sum3A_209 = vector.shape_cast %select_n3A_208 : vector<1x8xi32> to vector<1x1x8xi32>
    %reduce_sum3A_210 = arith.constant dense<0> : vector<1xi32>
    %reduce_sum3A_211 = vector.multi_reduction <add>, %reduce_sum3A_209, %reduce_sum3A_210 [1, 2] : vector<1x1x8xi32> to vector<1xi32>
    %reduce_sum3A_212 = vector.shape_cast %reduce_sum3A_211 : vector<1xi32> to vector<1x1x1xi32>
    %reduce_sum3A_213 = vector.extract %reduce_sum3A_212[0, 0, 0] : i32 from vector<1x1x1xi32>
    %ge3A_214 = vector.broadcast %reduce_sum3A_213 : i32 to vector<1x40xi32>
    %ge3A_215 = arith.cmpi sge, %mul3A_163, %ge3A_214 : vector<1x40xi32>
    %jit3A_216 = arith.constant 1 : i32
    %jit3A_217 = arith.constant 0 : i32
    %broadcast_in_dim3A_218 = vector.broadcast %jit3A_216 : i32 to vector<1x40xi32>
    %broadcast_in_dim3A_219 = vector.broadcast %jit3A_217 : i32 to vector<1x40xi32>
    %select_n3A_220 = arith.select %ge3A_215, %broadcast_in_dim3A_218, %broadcast_in_dim3A_219 : vector<1x40xi1>, vector<1x40xi32>
    %add3A_221 = arith.addi %add3A_202, %select_n3A_220 : vector<1x40xi32>
    %eq3A_222 = arith.constant 3 : i32
    %eq3A_223 = vector.broadcast %eq3A_222 : i32 to vector<1x8xi32>
    %eq3A_224 = arith.cmpi eq, %iota3A_159, %eq3A_223 : vector<1x8xi32>
    %jit3A_225 = arith.constant 0 : i32
    %broadcast_in_dim3A_226 = vector.broadcast %jit3A_225 : i32 to vector<1x8xi32>
    %select_n3A_227 = arith.select %eq3A_224, %add3A_158, %broadcast_in_dim3A_226 : vector<1x8xi1>, vector<1x8xi32>
    %reduce_sum3A_228 = vector.shape_cast %select_n3A_227 : vector<1x8xi32> to vector<1x1x8xi32>
    %reduce_sum3A_229 = arith.constant dense<0> : vector<1xi32>
    %reduce_sum3A_230 = vector.multi_reduction <add>, %reduce_sum3A_228, %reduce_sum3A_229 [1, 2] : vector<1x1x8xi32> to vector<1xi32>
    %reduce_sum3A_231 = vector.shape_cast %reduce_sum3A_230 : vector<1xi32> to vector<1x1x1xi32>
    %reduce_sum3A_232 = vector.extract %reduce_sum3A_231[0, 0, 0] : i32 from vector<1x1x1xi32>
    %ge3A_233 = vector.broadcast %reduce_sum3A_232 : i32 to vector<1x40xi32>
    %ge3A_234 = arith.cmpi sge, %mul3A_163, %ge3A_233 : vector<1x40xi32>
    %jit3A_235 = arith.constant 1 : i32
    %jit3A_236 = arith.constant 0 : i32
    %broadcast_in_dim3A_237 = vector.broadcast %jit3A_235 : i32 to vector<1x40xi32>
    %broadcast_in_dim3A_238 = vector.broadcast %jit3A_236 : i32 to vector<1x40xi32>
    %select_n3A_239 = arith.select %ge3A_234, %broadcast_in_dim3A_237, %broadcast_in_dim3A_238 : vector<1x40xi1>, vector<1x40xi32>
    %add3A_240 = arith.addi %add3A_221, %select_n3A_239 : vector<1x40xi32>
    %eq3A_241 = arith.constant 4 : i32
    %eq3A_242 = vector.broadcast %eq3A_241 : i32 to vector<1x8xi32>
    %eq3A_243 = arith.cmpi eq, %iota3A_159, %eq3A_242 : vector<1x8xi32>
    %jit3A_244 = arith.constant 0 : i32
    %broadcast_in_dim3A_245 = vector.broadcast %jit3A_244 : i32 to vector<1x8xi32>
    %select_n3A_246 = arith.select %eq3A_243, %add3A_158, %broadcast_in_dim3A_245 : vector<1x8xi1>, vector<1x8xi32>
    %reduce_sum3A_247 = vector.shape_cast %select_n3A_246 : vector<1x8xi32> to vector<1x1x8xi32>
    %reduce_sum3A_248 = arith.constant dense<0> : vector<1xi32>
    %reduce_sum3A_249 = vector.multi_reduction <add>, %reduce_sum3A_247, %reduce_sum3A_248 [1, 2] : vector<1x1x8xi32> to vector<1xi32>
    %reduce_sum3A_250 = vector.shape_cast %reduce_sum3A_249 : vector<1xi32> to vector<1x1x1xi32>
    %reduce_sum3A_251 = vector.extract %reduce_sum3A_250[0, 0, 0] : i32 from vector<1x1x1xi32>
    %ge3A_252 = vector.broadcast %reduce_sum3A_251 : i32 to vector<1x40xi32>
    %ge3A_253 = arith.cmpi sge, %mul3A_163, %ge3A_252 : vector<1x40xi32>
    %jit3A_254 = arith.constant 1 : i32
    %jit3A_255 = arith.constant 0 : i32
    %broadcast_in_dim3A_256 = vector.broadcast %jit3A_254 : i32 to vector<1x40xi32>
    %broadcast_in_dim3A_257 = vector.broadcast %jit3A_255 : i32 to vector<1x40xi32>
    %select_n3A_258 = arith.select %ge3A_253, %broadcast_in_dim3A_256, %broadcast_in_dim3A_257 : vector<1x40xi1>, vector<1x40xi32>
    %add3A_259 = arith.addi %add3A_240, %select_n3A_258 : vector<1x40xi32>
    %eq3A_260 = arith.constant 5 : i32
    %eq3A_261 = vector.broadcast %eq3A_260 : i32 to vector<1x8xi32>
    %eq3A_262 = arith.cmpi eq, %iota3A_159, %eq3A_261 : vector<1x8xi32>
    %jit3A_263 = arith.constant 0 : i32
    %broadcast_in_dim3A_264 = vector.broadcast %jit3A_263 : i32 to vector<1x8xi32>
    %select_n3A_265 = arith.select %eq3A_262, %add3A_158, %broadcast_in_dim3A_264 : vector<1x8xi1>, vector<1x8xi32>
    %reduce_sum3A_266 = vector.shape_cast %select_n3A_265 : vector<1x8xi32> to vector<1x1x8xi32>
    %reduce_sum3A_267 = arith.constant dense<0> : vector<1xi32>
    %reduce_sum3A_268 = vector.multi_reduction <add>, %reduce_sum3A_266, %reduce_sum3A_267 [1, 2] : vector<1x1x8xi32> to vector<1xi32>
    %reduce_sum3A_269 = vector.shape_cast %reduce_sum3A_268 : vector<1xi32> to vector<1x1x1xi32>
    %reduce_sum3A_270 = vector.extract %reduce_sum3A_269[0, 0, 0] : i32 from vector<1x1x1xi32>
    %ge3A_271 = vector.broadcast %reduce_sum3A_270 : i32 to vector<1x40xi32>
    %ge3A_272 = arith.cmpi sge, %mul3A_163, %ge3A_271 : vector<1x40xi32>
    %jit3A_273 = arith.constant 1 : i32
    %jit3A_274 = arith.constant 0 : i32
    %broadcast_in_dim3A_275 = vector.broadcast %jit3A_273 : i32 to vector<1x40xi32>
    %broadcast_in_dim3A_276 = vector.broadcast %jit3A_274 : i32 to vector<1x40xi32>
    %select_n3A_277 = arith.select %ge3A_272, %broadcast_in_dim3A_275, %broadcast_in_dim3A_276 : vector<1x40xi1>, vector<1x40xi32>
    %add3A_278 = arith.addi %add3A_259, %select_n3A_277 : vector<1x40xi32>
    %eq3A_279 = arith.constant 6 : i32
    %eq3A_280 = vector.broadcast %eq3A_279 : i32 to vector<1x8xi32>
    %eq3A_281 = arith.cmpi eq, %iota3A_159, %eq3A_280 : vector<1x8xi32>
    %jit3A_282 = arith.constant 0 : i32
    %broadcast_in_dim3A_283 = vector.broadcast %jit3A_282 : i32 to vector<1x8xi32>
    %select_n3A_284 = arith.select %eq3A_281, %add3A_158, %broadcast_in_dim3A_283 : vector<1x8xi1>, vector<1x8xi32>
    %reduce_sum3A_285 = vector.shape_cast %select_n3A_284 : vector<1x8xi32> to vector<1x1x8xi32>
    %reduce_sum3A_286 = arith.constant dense<0> : vector<1xi32>
    %reduce_sum3A_287 = vector.multi_reduction <add>, %reduce_sum3A_285, %reduce_sum3A_286 [1, 2] : vector<1x1x8xi32> to vector<1xi32>
    %reduce_sum3A_288 = vector.shape_cast %reduce_sum3A_287 : vector<1xi32> to vector<1x1x1xi32>
    %reduce_sum3A_289 = vector.extract %reduce_sum3A_288[0, 0, 0] : i32 from vector<1x1x1xi32>
    %ge3A_290 = vector.broadcast %reduce_sum3A_289 : i32 to vector<1x40xi32>
    %ge3A_291 = arith.cmpi sge, %mul3A_163, %ge3A_290 : vector<1x40xi32>
    %jit3A_292 = arith.constant 1 : i32
    %jit3A_293 = arith.constant 0 : i32
    %broadcast_in_dim3A_294 = vector.broadcast %jit3A_292 : i32 to vector<1x40xi32>
    %broadcast_in_dim3A_295 = vector.broadcast %jit3A_293 : i32 to vector<1x40xi32>
    %select_n3A_296 = arith.select %ge3A_291, %broadcast_in_dim3A_294, %broadcast_in_dim3A_295 : vector<1x40xi1>, vector<1x40xi32>
    %add3A_297 = arith.addi %add3A_278, %select_n3A_296 : vector<1x40xi32>
    %eq3A_298 = arith.constant 7 : i32
    %eq3A_299 = vector.broadcast %eq3A_298 : i32 to vector<1x8xi32>
    %eq3A_300 = arith.cmpi eq, %iota3A_159, %eq3A_299 : vector<1x8xi32>
    %jit3A_301 = arith.constant 0 : i32
    %broadcast_in_dim3A_302 = vector.broadcast %jit3A_301 : i32 to vector<1x8xi32>
    %select_n3A_303 = arith.select %eq3A_300, %add3A_158, %broadcast_in_dim3A_302 : vector<1x8xi1>, vector<1x8xi32>
    %reduce_sum3A_304 = vector.shape_cast %select_n3A_303 : vector<1x8xi32> to vector<1x1x8xi32>
    %reduce_sum3A_305 = arith.constant dense<0> : vector<1xi32>
    %reduce_sum3A_306 = vector.multi_reduction <add>, %reduce_sum3A_304, %reduce_sum3A_305 [1, 2] : vector<1x1x8xi32> to vector<1xi32>
    %reduce_sum3A_307 = vector.shape_cast %reduce_sum3A_306 : vector<1xi32> to vector<1x1x1xi32>
    %reduce_sum3A_308 = vector.extract %reduce_sum3A_307[0, 0, 0] : i32 from vector<1x1x1xi32>
    %ge3A_309 = vector.broadcast %reduce_sum3A_308 : i32 to vector<1x40xi32>
    %ge3A_310 = arith.cmpi sge, %mul3A_163, %ge3A_309 : vector<1x40xi32>
    %jit3A_311 = arith.constant 1 : i32
    %jit3A_312 = arith.constant 0 : i32
    %broadcast_in_dim3A_313 = vector.broadcast %jit3A_311 : i32 to vector<1x40xi32>
    %broadcast_in_dim3A_314 = vector.broadcast %jit3A_312 : i32 to vector<1x40xi32>
    %select_n3A_315 = arith.select %ge3A_310, %broadcast_in_dim3A_313, %broadcast_in_dim3A_314 : vector<1x40xi1>, vector<1x40xi32>
    %add3A_316 = arith.addi %add3A_297, %select_n3A_315 : vector<1x40xi32>
    %min3A = arith.constant 7 : i32
    %min3A_317 = vector.broadcast %min3A : i32 to vector<1x40xi32>
    %min3A_318 = arith.minsi %add3A_316, %min3A_317 : vector<1x40xi32>
    %swap3A_319 = arith.constant 0 : index
    %swap3A_320 = arith.constant 0 : index
    %swap3A_321 = vector.load %arg3[%swap3A_319, %swap3A_320] : memref<1x40xi32, #tpu.memory_space<vmem>>, vector<1x40xi32>
    tpu.vector_store %arg3[%swap3A_319, %swap3A_320], %min3A_318 {strides = array<i32>} : memref<1x40xi32, #tpu.memory_space<vmem>>, vector<1x40xi32>,
    %eq3A_322 = arith.constant 7 : i32
    %eq3A_323 = vector.broadcast %eq3A_322 : i32 to vector<1x8xi32>
    %eq3A_324 = arith.cmpi eq, %iota3A_159, %eq3A_323 : vector<1x8xi32>
    %jit3A_325 = arith.constant 0 : i32
    %broadcast_in_dim3A_326 = vector.broadcast %jit3A_325 : i32 to vector<1x8xi32>
    %select_n3A_327 = arith.select %eq3A_324, %add3A_158, %broadcast_in_dim3A_326 : vector<1x8xi1>, vector<1x8xi32>
    %reduce_sum3A_328 = vector.shape_cast %select_n3A_327 : vector<1x8xi32> to vector<1x1x8xi32>
    %reduce_sum3A_329 = arith.constant dense<0> : vector<1xi32>
    %reduce_sum3A_330 = vector.multi_reduction <add>, %reduce_sum3A_328, %reduce_sum3A_329 [1, 2] : vector<1x1x8xi32> to vector<1xi32>
    %reduce_sum3A_331 = vector.shape_cast %reduce_sum3A_330 : vector<1xi32> to vector<1x1x1xi32>
    %reduce_sum3A_332 = vector.extract %reduce_sum3A_331[0, 0, 0] : i32 from vector<1x1x1xi32>
    %lt3A_333 = vector.broadcast %reduce_sum3A_332 : i32 to vector<1x40xi32>
    %lt3A_334 = arith.cmpi slt, %mul3A_163, %lt3A_333 : vector<1x40xi32>
    %convert_element_type3A_335 = arith.extui %lt3A_334 : vector<1x40xi1> to vector<1x40xi32>
    %swap3A_336 = arith.constant 0 : index
    %swap3A_337 = arith.constant 0 : index
    %swap3A_338 = vector.load %arg4[%swap3A_336, %swap3A_337] : memref<1x40xi32, #tpu.memory_space<vmem>>, vector<1x40xi32>
    tpu.vector_store %arg4[%swap3A_336, %swap3A_337], %convert_element_type3A_335 {strides = array<i32>} : memref<1x40xi32, #tpu.memory_space<vmem>>, vector<1x40xi32>,
    return
  }
  func.func @transform_0(%arg0: i32) -> (i32, i32) {
    %c0_i32 = arith.constant 0 : i32
    %c0_i32_0 = arith.constant 0 : i32
    %c0_i32_1 = arith.constant 0 : i32
    return %c0_i32, %c0_i32_0 : i32, i32
  }
  func.func @transform_1(%arg0: i32) -> (i32, i32) {
    %c0_i32 = arith.constant 0 : i32
    %c0_i32_0 = arith.constant 0 : i32
    %c0_i32_1 = arith.constant 0 : i32
    return %c0_i32, %c0_i32_0 : i32, i32
  }
  func.func @transform_2(%arg0: i32) -> (i32, i32) {
    %c0_i32 = arith.constant 0 : i32
    %c0_i32_0 = arith.constant 0 : i32
    %c0_i32_1 = arith.constant 0 : i32
    return %c0_i32, %c0_i32_0 : i32, i32
  }
  func.func @transform_3(%arg0: i32) -> (i32, i32) {
    %c0_i32 = arith.constant 0 : i32
    %c0_i32_0 = arith.constant 0 : i32
    %c0_i32_1 = arith.constant 0 : i32
    return %c0_i32, %c0_i32_0 : i32, i32
  }
}

module attributes {stable_mosaic.version = 14 : i64} {
  func.func @_gmm_body(%arg0: i32, %arg1: memref<40xi32, #tpu.memory_space<smem>>, %arg2: memref<40xi32, #tpu.memory_space<smem>>, %arg3: memref<128x768xf32, #tpu.memory_space<vmem>>, %arg4: memref<1x768x768xf32, #tpu.memory_space<vmem>>, %arg5: memref<1x768x768xf32, #tpu.memory_space<vmem>>, %arg6: memref<128x768xf32, #tpu.memory_space<vmem>>) attributes {dimension_semantics = [#tpu.dimension_semantics<arbitrary>], iteration_bounds = array<i64: 40>, scalar_prefetch = 2 : i64, scratch_operands = 0 : i64, tpu.core_type = #tpu.core_type<tc>, window_params = [{transform_indices = @transform_0, window_bounds = array<i64: 128, 768>}, {transform_indices = @transform_1, window_bounds = array<i64: 1, 768, 768>}, {transform_indices = @transform_2, window_bounds = array<i64: 1, 768, 768>}, {transform_indices = @transform_3, window_bounds = array<i64: 128, 768>}]} {
    %get3A = arith.index_cast %arg0 : i32 to index
    %get3A_0 = memref.load %arg2[%get3A] : memref<40xi32, #tpu.memory_space<smem>>
    %eq3A = arith.constant 1 : i32
    %eq3A_1 = arith.cmpi eq, %get3A_0, %eq3A : i32
    %convert_element_type3A = arith.extui %eq3A_1 : i1 to i32
    %cond3A = arith.constant 0 : i32
    %cond3A_2 = arith.cmpi ne, %convert_element_type3A, %cond3A : i32
    scf.if %cond3A_2 {
      %get3A_3 = arith.constant 0 : index
      %get3A_4 = arith.constant 0 : index
      %get3A_5 = vector.load %arg3[%get3A_3, %get3A_4] : memref<128x768xf32, #tpu.memory_space<vmem>>, vector<128x768xf32>
      %get3A_6 = arith.constant 0 : index
      %get3A_7 = arith.constant 0 : index
      %get3A_8 = arith.constant 0 : index
      %get3A_9 = vector.load %arg4[%get3A_6, %get3A_7, %get3A_8] : memref<1x768x768xf32, #tpu.memory_space<vmem>>, vector<1x768x768xf32>
      %get3A_10 = vector.shape_cast %get3A_9 : vector<1x768x768xf32> to vector<768x768xf32>
      %dot_general3A = arith.constant dense<0.000000e+00> : vector<128x768xf32>
      %dot_general3A_11 = tpu.matmul %get3A_5, %get3A_10, %dot_general3A {dimension_numbers = #tpu.dot_dimension_numbers<[1], [0], [0], [1], [0, 0, 1, 1], [], []>, transpose_lhs_hint = false} : vector<128x768xf32>, vector<768x768xf32>, vector<128x768xf32> -> vector<128x768xf32>
      %max3A = arith.constant 0.000000e+00 : f32
      %max3A_12 = vector.broadcast %max3A : f32 to vector<128x768xf32>
      %max3A_13 = arith.maximumf %dot_general3A_11, %max3A_12 : vector<128x768xf32>
      %mul3A = arith.mulf %max3A_13, %max3A_13 : vector<128x768xf32>
      %get3A_14 = arith.constant 0 : index
      %get3A_15 = arith.constant 0 : index
      %get3A_16 = arith.constant 0 : index
      %get3A_17 = vector.load %arg5[%get3A_14, %get3A_15, %get3A_16] : memref<1x768x768xf32, #tpu.memory_space<vmem>>, vector<1x768x768xf32>
      %get3A_18 = vector.shape_cast %get3A_17 : vector<1x768x768xf32> to vector<768x768xf32>
      %dot_general3A_19 = arith.constant dense<0.000000e+00> : vector<128x768xf32>
      %dot_general3A_20 = tpu.matmul %mul3A, %get3A_18, %dot_general3A_19 {dimension_numbers = #tpu.dot_dimension_numbers<[1], [0], [0], [1], [0, 0, 1, 1], [], []>, transpose_lhs_hint = false} : vector<128x768xf32>, vector<768x768xf32>, vector<128x768xf32> -> vector<128x768xf32>
      %swap3A = arith.constant 0 : index
      %swap3A_21 = arith.constant 0 : index
      %swap3A_22 = vector.load %arg6[%swap3A, %swap3A_21] : memref<128x768xf32, #tpu.memory_space<vmem>>, vector<128x768xf32>
      tpu.vector_store %arg6[%swap3A, %swap3A_21], %dot_general3A_20 {strides = array<i32>} : memref<128x768xf32, #tpu.memory_space<vmem>>, vector<128x768xf32>,
    } else {
    }
    return
  }
  func.func @transform_0(%arg0: i32, %arg1: memref<40xi32, #tpu.memory_space<smem>>, %arg2: memref<40xi32, #tpu.memory_space<smem>>) -> (i32, i32) {
    %c0_i32 = arith.constant 0 : i32
    %c0_i32_0 = arith.constant 0 : i32
    return %arg0, %c0_i32 : i32, i32
  }
  func.func @transform_1(%arg0: i32, %arg1: memref<40xi32, #tpu.memory_space<smem>>, %arg2: memref<40xi32, #tpu.memory_space<smem>>) -> (i32, i32, i32) {
    %get3A = arith.index_cast %arg0 : i32 to index
    %get3A_0 = memref.load %arg1[%get3A] : memref<40xi32, #tpu.memory_space<smem>>
    %c0_i32 = arith.constant 0 : i32
    %c0_i32_1 = arith.constant 0 : i32
    %c0_i32_2 = arith.constant 0 : i32
    return %get3A_0, %c0_i32, %c0_i32_1 : i32, i32, i32
  }
  func.func @transform_2(%arg0: i32, %arg1: memref<40xi32, #tpu.memory_space<smem>>, %arg2: memref<40xi32, #tpu.memory_space<smem>>) -> (i32, i32, i32) {
    %get3A = arith.index_cast %arg0 : i32 to index
    %get3A_0 = memref.load %arg1[%get3A] : memref<40xi32, #tpu.memory_space<smem>>
    %c0_i32 = arith.constant 0 : i32
    %c0_i32_1 = arith.constant 0 : i32
    %c0_i32_2 = arith.constant 0 : i32
    return %get3A_0, %c0_i32, %c0_i32_1 : i32, i32, i32
  }
  func.func @transform_3(%arg0: i32, %arg1: memref<40xi32, #tpu.memory_space<smem>>, %arg2: memref<40xi32, #tpu.memory_space<smem>>) -> (i32, i32) {
    %c0_i32 = arith.constant 0 : i32
    %c0_i32_0 = arith.constant 0 : i32
    return %arg0, %c0_i32 : i32, i32
  }
}

module attributes {stable_mosaic.version = 14 : i64} {
  func.func @_comb_body(%arg0: i32, %arg1: memref<256x768xf32, #tpu.memory_space<vmem>>, %arg2: memref<256x768xf32, #tpu.memory_space<vmem>>, %arg3: memref<256x768xf32, #tpu.memory_space<vmem>>, %arg4: memref<256x1xf32, #tpu.memory_space<vmem>>, %arg5: memref<256x1xf32, #tpu.memory_space<vmem>>, %arg6: memref<256x768xf32, #tpu.memory_space<vmem>>) attributes {dimension_semantics = [#tpu.dimension_semantics<arbitrary>], iteration_bounds = array<i64: 8>, scalar_prefetch = 0 : i64, scratch_operands = 0 : i64, tpu.core_type = #tpu.core_type<tc>, window_params = [{transform_indices = @transform_0, window_bounds = array<i64: 256, 768>}, {transform_indices = @transform_1, window_bounds = array<i64: 256, 768>}, {transform_indices = @transform_2, window_bounds = array<i64: 256, 768>}, {transform_indices = @transform_3, window_bounds = array<i64: 256, 1>}, {transform_indices = @transform_4, window_bounds = array<i64: 256, 1>}, {transform_indices = @transform_5, window_bounds = array<i64: 256, 768>}]} {
    %get3A = arith.constant 0 : index
    %get3A_0 = arith.constant 0 : index
    %get3A_1 = vector.load %arg1[%get3A, %get3A_0] : memref<256x768xf32, #tpu.memory_space<vmem>>, vector<256x768xf32>
    %get3A_2 = arith.constant 0 : index
    %get3A_3 = arith.constant 0 : index
    %get3A_4 = vector.load %arg4[%get3A_2, %get3A_3] : memref<256x1xf32, #tpu.memory_space<vmem>>, vector<256x1xf32>
    %get3A_5 = arith.constant 0 : index
    %get3A_6 = arith.constant 0 : index
    %get3A_7 = vector.load %arg2[%get3A_5, %get3A_6] : memref<256x768xf32, #tpu.memory_space<vmem>>, vector<256x768xf32>
    %mul3A = vector.broadcast %get3A_4 : vector<256x1xf32> to vector<256x768xf32>
    %mul3A_8 = arith.mulf %mul3A, %get3A_7 : vector<256x768xf32>
    %add3A = arith.addf %get3A_1, %mul3A_8 : vector<256x768xf32>
    %get3A_9 = arith.constant 0 : index
    %get3A_10 = arith.constant 0 : index
    %get3A_11 = vector.load %arg5[%get3A_9, %get3A_10] : memref<256x1xf32, #tpu.memory_space<vmem>>, vector<256x1xf32>
    %get3A_12 = arith.constant 0 : index
    %get3A_13 = arith.constant 0 : index
    %get3A_14 = vector.load %arg3[%get3A_12, %get3A_13] : memref<256x768xf32, #tpu.memory_space<vmem>>, vector<256x768xf32>
    %mul3A_15 = vector.broadcast %get3A_11 : vector<256x1xf32> to vector<256x768xf32>
    %mul3A_16 = arith.mulf %mul3A_15, %get3A_14 : vector<256x768xf32>
    %add3A_17 = arith.addf %add3A, %mul3A_16 : vector<256x768xf32>
    %swap3A = arith.constant 0 : index
    %swap3A_18 = arith.constant 0 : index
    %swap3A_19 = vector.load %arg6[%swap3A, %swap3A_18] : memref<256x768xf32, #tpu.memory_space<vmem>>, vector<256x768xf32>
    tpu.vector_store %arg6[%swap3A, %swap3A_18], %add3A_17 {strides = array<i32>} : memref<256x768xf32, #tpu.memory_space<vmem>>, vector<256x768xf32>,
    return
  }
  func.func @transform_0(%arg0: i32) -> (i32, i32) {
    %c0_i32 = arith.constant 0 : i32
    %c0_i32_0 = arith.constant 0 : i32
    return %arg0, %c0_i32 : i32, i32
  }
  func.func @transform_1(%arg0: i32) -> (i32, i32) {
    %c0_i32 = arith.constant 0 : i32
    %c0_i32_0 = arith.constant 0 : i32
    return %arg0, %c0_i32 : i32, i32
  }
  func.func @transform_2(%arg0: i32) -> (i32, i32) {
    %c0_i32 = arith.constant 0 : i32
    %c0_i32_0 = arith.constant 0 : i32
    return %arg0, %c0_i32 : i32, i32
  }
  func.func @transform_3(%arg0: i32) -> (i32, i32) {
    %c0_i32 = arith.constant 0 : i32
    %c0_i32_0 = arith.constant 0 : i32
    return %arg0, %c0_i32 : i32, i32
  }
  func.func @transform_4(%arg0: i32) -> (i32, i32) {
    %c0_i32 = arith.constant 0 : i32
    %c0_i32_0 = arith.constant 0 : i32
    return %arg0, %c0_i32 : i32, i32
  }
  func.func @transform_5(%arg0: i32) -> (i32, i32) {
    %c0_i32 = arith.constant 0 : i32
    %c0_i32_0 = arith.constant 0 : i32
    return %arg0, %c0_i32 : i32, i32
  }
}

</mosaic_0001>

<sc_bundles>
// kernel: kernel.10.cloned.1.call-start
scs
__scs_entry_jumppad:
0x0: {  	(pc) =	sbr.rel $0x88, $3  }
0x1: {  	(tag) =	ssettag $0x0;
	lr =	simm.s32 $0x1  }
0x2: {  	[smem:$0x3F93] =	sst lr;
	_ =	strace $0xD0000000  }
0x3: {  	_ = 	snop  }
0x4: {  	_ = 	snop  }
0x5: {  	_ = 	snop  }
0x6: {  	_ = 	snop  }
0x7: {  	_ = 	snop  }
__scs_overlays_trampoline_lowered:
0x8: {  	[smem:$0x3FA2] =	sst s0  }
0x9: {  	[smem:$0x3FA3] =	sst s1  }
0xa: {  	[smem:$0x3FA4] =	sst s2  }
0xb: {  	[smem:$0x3FA5] =	sst s3  }
0xc: {  	[smem:$0x3FA6] =	sst s4  }
0xd: {  	[smem:$0x3FA7] =	sst s5  }
0xe: {  	[smem:$0x3FA8] =	sst s6  }
0xf: {  	[smem:$0x3FA9] =	sst s7  }
0x10: {  	[smem:$0x3FAA] =	sst s8  }
0x11: {  	[smem:$0x3FAB] =	sst s9;
	s0 =	simm.s32 @!p0 $0x0  }
0x12: {  	s1 =	sld [smem:$0x3F91];
	s0 =	simm.s32 @p0 $0x1  }
0x13: {  	[smem:$0x3FAC] =	sst s0;
	s0 =	simm.s32 @!p1 $0x0  }
0x14: {  	s2 =	sld [smem:$0x3F90];
	s0 =	simm.s32 @p1 $0x1  }
0x15: {  	[smem:$0x3FAD] =	sst s0;
	s0 =	simm.s32 @!p2 $0x0  }
0x16: {  	s3 =	sld [smem:$0x3FDB];
	s0 =	simm.s32 @p2 $0x1  }
0x17: {  	s4 =	simm.s32 $0x1BF5;
	[smem:$0x3FAF] =	sst s0  }
0x18: {  	s0 =	sld [smem:$0x3F92];
	_ =	swait.ge [sflag:s4], $0x0  }
0x19: {  	s7 =	sld [smem:$0x3F93]  }
0x1a: {  	s8 =	sadd.s32 $0xFFFFE003, lr  }
0x1b: {  	s9 =	sadd.s32 $0xFFFFFEF7, lr;
	s5 =	simm.s32 $0xFFFFFFFF;
	p2 =	slt.u32 s8, $0xFFFFF086  }
0x1c: {  	p1 =	slt.u32 s9, $0xF7A;
	s5 =	simm.s32 @!p2 $0x0  }
0x1d: {  	s5 =	simm.s32 @p1 $0x1;
	p0 =	seq.s32 s7, s2  }
0x1e: {  	s7 =	smul.u32 @!p0 $0xF7A, s2;
	p2 =	seq.s32 @!p0 s5, $0x0  }
0x1f: {  	s9 =	smul.u32 $0xF7A, s1;
	s8 =	simm.s32 @!p0 $0x1BF5;
	p2 =	por !p2, p0  }
0x20: {  	[sflag:s8] =	ssyncset.s32 @!p0 $0xFFFFF086;
	s6 =	sadd.s32 @!p0 s3, s7;
	s7 =	simm.s32 @!p0 $0x108  }
0x21: {  	s3 =	sadd.s32 s3, s9;
	s6 =	sadd.s32 @!p0 $0x88, s6;
	s7 =	simm.s32 @p2 $0x1082  }
0x22: {  	[simem:s7], [sflag:s8] =	dma.local @!p0 [hbm:s6], $0xF7A  }
0x23: {  	s9 =	sor.u32 $0xD0000000, s2;
	s6 =	simm.s32 $0x108;
	_ =	swait.ge @!p0 [sflag:s8], $0x0  }
0x24: {  	s3 =	sadd.s32 $0x88, s3;
	s6 =	simm.s32 @!p1 $0x1082;
	[sflag:s4] =	ssyncset.s32 $0xFFFFF086  }
0x25: {  	[simem:s6], [sflag:s4] =	dma.local [hbm:s3], $0xF7A  }
0x26: {  	[smem:$0x3F93] =	sst s1;
	(tag) =	ssettag s2;
	_ =	strace s9  }
0x27: {  	s1 =	sld [smem:$0x3FA3]  }
0x28: {  	s2 =	sld [smem:$0x3FA4]  }
0x29: {  	s4 =	sld [smem:$0x3FA6]  }
0x2a: {  	p0 =	seq.s32 s5, $0x0;
	s5 =	sld [smem:$0x3FA7]  }
0x2b: {  	s6 =	sld [smem:$0x3FA8]  }
0x2c: {  	s7 =	sld [smem:$0x3FA9]  }
0x2d: {  	s3 =	simm.s32 $0x108;
	s8 =	sld [smem:$0x3FAA]  }
0x2e: {  	s3 =	simm.s32 @!p0 $0x1082;
	s9 =	sld [smem:$0x3FAB]  }
0x2f: {  	lr =	sadd.s32 s0, s3;
	s0 =	sld [smem:$0x3FA2]  }
0x30: {  	s3 =	sld [smem:$0x3FA5]  }
0x31: {  	[smem:$0x3FAE] =	sst s10  }
0x32: {  	s10 =	sld [smem:$0x3FAC];
	_ =	sdelay $0x3  }
0x33: {  	p0 =	seq.s32 s10, $0x1;
	s10 =	sld [smem:$0x3FAE];
	_ =	sdelay $0x3  }
0x34: {  	[smem:$0x3FAE] =	sst s10  }
0x35: {  	s10 =	sld [smem:$0x3FAD];
	_ =	sdelay $0x3  }
0x36: {  	p1 =	seq.s32 s10, $0x1;
	s10 =	sld [smem:$0x3FAE];
	_ =	sdelay $0x3  }
0x37: {  	[smem:$0x3FAE] =	sst s10  }
0x38: {  	s10 =	sld [smem:$0x3FAF]  }
0x39: {  	_ = 	snop;
	(pc) =	sbr.ind lr, $3  }
0x3a: {  	_ = 	snop  }
0x3b: {  	_ = 	snop  }
0x3c: {  	p2 =	seq.s32 s10, $0x1;
	s10 =	sld [smem:$0x3FAE]  }
0x3d: {  	_ =	shalt  }
0x3e: {  	_ =	shalt  }
0x3f: {  	_ =	shalt  }
0x40: {  	_ =	shalt  }
0x41: {  	_ =	shalt  }
0x42: {  	_ =	shalt  }
0x43: {  	_ =	shalt  }
0x44: {  	_ =	shalt  }
0x45: {  	_ =	shalt  }
0x46: {  	_ =	shalt  }
0x47: {  	_ =	shalt  }
0x48: {  	_ =	shalt  }
0x49: {  	_ =	shalt  }
0x4a: {  	_ =	shalt  }
0x4b: {  	_ =	shalt  }
0x4c: {  	_ =	shalt  }
0x4d: {  	_ =	shalt  }
0x4e: {  	_ =	shalt  }
0x4f: {  	_ =	shalt  }
0x50: {  	_ =	shalt  }
0x51: {  	_ =	shalt  }
0x52: {  	_ =	shalt  }
0x53: {  	_ =	shalt  }
0x54: {  	_ =	shalt  }
0x55: {  	_ =	shalt  }
0x56: {  	_ =	shalt  }
0x57: {  	_ =	shalt  }
0x58: {  	_ =	shalt  }
0x59: {  	_ =	shalt  }
0x5a: {  	_ =	shalt  }
0x5b: {  	_ =	shalt  }
0x5c: {  	_ =	shalt  }
0x5d: {  	_ =	shalt  }
0x5e: {  	_ =	shalt  }
0x5f: {  	_ =	shalt  }
0x60: {  	_ =	shalt  }
0x61: {  	_ =	shalt  }
0x62: {  	_ =	shalt  }
0x63: {  	_ =	shalt  }
0x64: {  	_ =	shalt  }
0x65: {  	_ =	shalt  }
0x66: {  	_ =	shalt  }
0x67: {  	_ =	shalt  }
0x68: {  	_ =	shalt  }
0x69: {  	_ =	shalt  }
0x6a: {  	_ =	shalt  }
0x6b: {  	_ =	shalt  }
0x6c: {  	_ =	shalt  }
0x6d: {  	_ =	shalt  }
0x6e: {  	_ =	shalt  }
0x6f: {  	_ =	shalt  }
0x70: {  	_ =	shalt  }
0x71: {  	_ =	shalt  }
0x72: {  	_ =	shalt  }
0x73: {  	_ =	shalt  }
0x74: {  	_ =	shalt  }
0x75: {  	_ =	shalt  }
0x76: {  	_ =	shalt  }
0x77: {  	_ =	shalt  }
0x78: {  	_ =	shalt  }
0x79: {  	_ =	shalt  }
0x7a: {  	_ =	shalt  }
0x7b: {  	_ =	shalt  }
0x7c: {  	_ =	shalt  }
0x7d: {  	_ =	shalt  }
0x7e: {  	_ =	shalt  }
0x7f: {  	_ =	shalt  }
0x80: {  	_ =	shalt  }
0x81: {  	_ =	shalt  }
0x82: {  	_ =	shalt  }
0x83: {  	_ =	shalt  }
0x84: {  	_ =	shalt  }
0x85: {  	_ =	shalt  }
0x86: {  	_ =	shalt  }
0x87: {  	_ =	shalt  }
.Lfunc_end0:
.L_simem_size_0:
called_computation_lowered:
.L_overlay_start_0:
0x88: {  	s2 =	sld [smem:$0x3FD9]  }
0x89: {  	s3 =	sld [smem:$0x3FFE];
	_ =	sdelay $0x1  }
0x8a: {  	s1 =	srdreg.scid  }
0x8b: {  	s0 =	sand.u32 $0x1, s1  }
0x8c: {  	s17 =	sshll.u32 s0, $0xA;
	s2 =	sadd.s32 s3, s2  }
0x8d: {  	s2 =	sadd.s32 s2, s17  }
0x8e: {  	[smem:$0x3FBA] =	sst s2  }
0x8f: {  	_ = 	snop  }
0x90: {  	s2 =	sld [smem:$0x3FD0];
	(tm) =	ssettm $0x1  }
0x91: {  	s18 =	sld [smem:$0x3FFB];
	_ =	sdelay $0x3  }
0x92: {  	_ =	strace s18  }
0x93: {  	s3 =	sld [smem:$0x3FFC];
	_ =	sdelay $0x3  }
0x94: {  	_ =	strace s3  }
0x95: {  	s3 =	sld [smem:$0x3FFD];
	_ =	sdelay $0x3  }
0x96: {  	_ =	strace s3  }
0x97: {  	_ =	strace $0x8FFFFFFF  }
0x98: {  	s19 =	sld [smem:$0x3FDB];
	_ =	sdelay $0x1  }
0x99: {  	s4 =	simm.s32 $_scs_section_size  }
0x9a: {  	s5 =	simm.s32 $_size__tile_overlayer_lowered;
	s6 =	simm.s32 $_tile_overlayer_lowered  }
0x9b: {  	s22 =	simm.s32 $0x1BFF;
	s21 =	sshll.u32 s6, $0x1;
	s3 =	sadd.s32 s4, s19  }
0x9c: {  	s7 =	simm.s32 $0x0;
	s20 =	sshll.u32 s5, $0x1;
	s5 =	sadd.s32 s21, s3  }
0x9d: {  	[timem:s7], [sflag:s22] =	dma.local [hbm:s5], s20  }
0x9e: {  	_ =	swait.ge [sflag:s22], s20  }
0x9f: {  	s4 =	ssub.s32 $0x0, s20;
	[sflag:s22] =	ssyncset.done $0x0  }
0xa0: {  	[sflag:s22] =	ssyncadd.s32 s4;
	_ =	sdelay $0x1  }
0xa1: {  	s23 =	simm.s32 $0x1B8B  }
0xa2: {  	_ =	swait.ge [sflag:s23], $0x1  }
0xa3: {  	[sflag:s23] =	ssyncset.done $0x0  }
0xa4: {  	s25 =	simm.s32 $0x1B8E;
	s24 =	sld [smem:$0x3FFE];
	[sflag:s23] =	ssyncadd.s32 $0xFFFFFFFF  }
0xa5: {  	s26 =	simm.s32 $execute0_lowered;
	[smem:$0x3FD2] =	sst s25  }
0xa6: {  	s5 =	sshll.u32 s26, $0x1;
	_ =	strace $0x80000046;
	[dreg:$0x1] =	wrdreg $0xFFFFFFFF  }
0xa7: {  	s28 =	simm.s32 $_size_execute0_lowered;
	s3 =	sadd.s32 s3, s5;
	[dreg:$0x0] =	wrdreg $0x0  }
0xa8: {  	s5 =	sshll.u32 s28, $0x1;
	[dreg:$0x2] =	wrdreg s3  }
0xa9: {  	[dreg:$0x3] =	wrdreg s5  }
0xaa: {  	[dreg:$0x4] =	wrdreg $0xC0  }
0xab: {  	_ =	task [dreg:s7], $0x5FFFF  }
0xac: {  	[dreg:$0x1] =	wrdreg $0xFFFFFFFF  }
0xad: {  	[dreg:$0x0] =	wrdreg $0x60  }
0xae: {  	[dreg:$0x2] =	wrdreg s2  }
0xaf: {  	[dreg:$0x3] =	wrdreg s24  }
0xb0: {  	[dreg:$0x4] =	wrdreg $0x9  }
0xb1: {  	_ =	task.clear_ibuf [dreg:s7], $0x5FFFF;
	_ =	strace $0x90000046  }
0xb2: {  	s29 =	simm.s32 $0x9;
	_ =	strace $0x80000048  }
0xb3: {  	_ =	swait.ge [sflag:s29], $0x1  }
0xb4: {  	[sflag:s29] =	ssyncadd.s32 $0xFFFFFFFF  }
0xb5: {  	_ =	strace $0x90000048  }
0xb6: {  	_ =	sfence  }
0xb7: {  	s30 =	sld [smem:$0x0];
	_ =	sdelay $0x2  }
0xb8: {  	s31 =	sshll.u32 s1, $0xD;
	s1 =	sshrl.u32 s1, $0x2  }
0xb9: {  	s3 =	sand.u32 $0x4000, s31;
	s1 =	sadd.s32 s1, s30  }
0xba: {  	s0 =	sor.u32 s3, s0;
	s1 =	sshll.u32 s1, $0x11  }
0xbb: {  	s0 =	sor.u32 s1, s0  }
0xbc: {  	s0 =	sadd.s32 $0x8F2B, s0  }
0xbd: {  	[sflag:s0] =	ssyncadd.remote.s32 $0x1  }
0xbe: {  	_ =	sfence.sel $0xFFFF  }
0xbf: {  	[dreg:$0x0] =	wrdreg $0xFFFFFFFF;
	(pc) =	sbr.abs _section_cstart, $3  }
0xc0: {  	[dreg:$0x1] =	wrdreg $0xFFFFFFFF  }
0xc1: {  	_ =	task.clear_ibuf [dreg:s7], $0x2FFFF;
	_ =	strace $0x9FFFFFFF  }
0xc2: {  	(tm) =	ssettm $0x7FFFFFFF  }
0xc3: {  	_ =	shalt  }
tec
execute0_lowered:
.L_overlay_start_1:
0x0: {  	(tag) =	ssettag $0x1  }
0x1: {  	s0 =	srdreg.scid;
	s1 =	rddreg [dreg:$0x0]  }
0x2: {  	s2 =	stileid.u32;
	s5 =	rddreg [dreg:$0x1]  }
0x3: {  	s8 =	simm.s32 $0x2;
	s10 =	simm.s32 $0x880;
	s11 =	simm.s32 $0x1080  }
0x4: {  	s12 =	simm.s32 $0x1880;
	s13 =	simm.s32 $0x2080;
	s14 =	simm.s32 $0x2880  }
0x5: {  	s15 =	simm.s32 $0x3080;
	s16 =	simm.s32 $0x3880;
	s17 =	simm.s32 $0x4080  }
0x6: {  	s18 =	simm.s32 $0x4880;
	s19 =	simm.s32 $0x5080;
	s20 =	simm.s32 $0x5880  }
0x7: {  	s21 =	simm.s32 $0x6080;
	s22 =	simm.s32 $0x6880;
	s23 =	simm.s32 $0x7080  }
0x8: {  	s28 =	simm.s32 $0x9080;
	s29 =	simm.s32 $0x9880;
	s30 =	simm.s32 $0xA080  }
0x9: {  	s0 =	sand.u32 $0x1, s0;
	s3 =	sshll.u32 s2, $0x4;
	s2 =	simm.s32 $0x0  }
0xa: {  	s31 =	simm.s32 $0xA880;
	s4 =	sshll.u32 s0, $0x3;
	[smem:$0x7FF] =	sst s2  }
0xb: {  	s0 =	ssub.s32 $0x2, s0;
	s3 =	sor.u32 s4, s3;
	_ =	strace $0x80000047  }
0xc: {  	s24 =	sshrl.u32 s0, $0x1;
	s4 =	smul.u32 $0x300, s3;
	s6 =	sadd.s32 s3, s5  }
0xd: {  	s3 =	sadd.s32 $0x2200, s5;
	s0 =	ssub.s32 s0, s24;
	s24 =	simm.s32 $0x7880  }
0xe: {  	s25 =	sadd.s32 $0x2000, s6;
	s26 =	sadd.s32 $0x1E00, s6;
	s6 =	smax.u32 s0, $0x1  }
0xf: {  	v2 =	vlaneseq.u32;
	s1 =	sadd.s32 s1, s4;
	[dreg:$0x4] =	wrdreg s25;
	s4 =	sadd.s32 $0x2300, s5  }
0x10: {  	vm0 =	vmmov $0xffff;
	v1 =	vshrl.u32 v2, $0x3;
	s5 =	sadd.s32 $0x2400, s5;
	[dreg:$0x5] =	wrdreg s26;
	s25 =	simm.s32 $0x8080  }
0x11: {  	v0 =	vand.u32 $0x7, v2;
	v2 =	vor.u32 $0x8, v2;
	v1 =	vmul.u32 $0x8, v1;
	s26 =	simm.s32 $0x8880;
	[dreg:$0x3] =	wrdreg s1;
	s1 =	simm.s32 $0x1  }
.LBB2_1:
0x12: {  	s9 =	rddreg [dreg:$0x3];
	s0 =	simm.s32 $0x80  }
0x13: {  	[tilespmem:s0], [sflag:$0x2] =	stream.linear.gather [hbm4b:s9+s2], $0xC000, $0x38;
	[tilespmem:$0xC080] =	vst v63  }
0x14: {  	_ =	swait.ge [sflag:s8], $0xC000  }
0x15: {  	[sflag:s8] =	ssyncset.done $0x0  }
0x16: {  	s7 =	rddreg [dreg:$0x4];
	[sflag:s8] =	ssyncadd.s32 $0xFFFF4000  }
0x17: {  	[tilespmem:s2], [sflag:$0x2] =	stream.linear.gather [hbm4b:s7+s2], $0x40, $0x38;
	[tilespmem:$0xC080] =	vst v63  }
0x18: {  	_ =	swait.ge [sflag:s8], $0x40  }
0x19: {  	[sflag:s8] =	ssyncset.done $0x0  }
0x1a: {  	[sflag:s8] =	ssyncadd.s32 $0xFFFFFFC0  }
0x1b: {  	v3 =	vld [tilespmem:$0x0];
	_ =	sdelay $0x4  }
0x1c: {  	v4 =	vshrl.u32 v3, $0x3  }
0x1d: {  	v4 =	vmul.u32 $0x30, v4  }
0x1e: {  	v3 =	vand.u32 $0x7, v3  }
0x1f: {  	v3 =	vor.u32 v3, v4  }
0x20: {  	v4 =	vperm.xlane v3, v0;
	_ =	sdelay $0x1  }
0x21: {  	v4 =	vadd.s32 v1, v4;
	_ =	sdelay $0x3  }
0x22: {  	v3 =	vperm.xlane v3, v2  }
0x23: {  	[hbm4b:s3+s2] =	stream.indirect_vreg.scatter [tilespmem:s0], [sflag:$0x1], $0x80, v4, vm0, $0xb8;
	[tilespmem:$0xC080] =	vst v63  }
0x24: {  	v3 =	vadd.s32 v1, v3  }
0x25: {  	[hbm4b:s4+s2] =	stream.indirect_vreg.scatter [tilespmem:s10], [sflag:$0x1], $0x80, v4, vm0, $0xb8;
	[tilespmem:$0xC080] =	vst v63  }
0x26: {  	_ = 	snop  }
0x27: {  	[hbm4b:s5+s2] =	stream.indirect_vreg.scatter [tilespmem:s11], [sflag:$0x1], $0x80, v4, vm0, $0xb8;
	[tilespmem:$0xC080] =	vst v63  }
0x28: {  	_ = 	snop  }
0x29: {  	[hbm4b:s3+s2] =	stream.indirect_vreg.scatter [tilespmem:s12], [sflag:$0x1], $0x80, v3, vm0, $0xb8;
	[tilespmem:$0xC080] =	vst v63  }
0x2a: {  	_ = 	snop  }
0x2b: {  	[hbm4b:s4+s2] =	stream.indirect_vreg.scatter [tilespmem:s13], [sflag:$0x1], $0x80, v3, vm0, $0xb8;
	[tilespmem:$0xC080] =	vst v63  }
0x2c: {  	_ = 	snop  }
0x2d: {  	[hbm4b:s5+s2] =	stream.indirect_vreg.scatter [tilespmem:s14], [sflag:$0x1], $0x80, v3, vm0, $0xb8;
	[tilespmem:$0xC080] =	vst v63  }
0x2e: {  	v3 =	vld [tilespmem:$0x10];
	_ =	sdelay $0x4  }
0x2f: {  	v57 =	vshrl.u32 v3, $0x3  }
0x30: {  	v4 =	vmul.u32 $0x30, v57  }
0x31: {  	v3 =	vand.u32 $0x7, v3  }
0x32: {  	v3 =	vor.u32 v3, v4  }
0x33: {  	v4 =	vperm.xlane v3, v0;
	_ =	sdelay $0x1  }
0x34: {  	v4 =	vadd.s32 v1, v4;
	_ =	sdelay $0x3  }
0x35: {  	v3 =	vperm.xlane v3, v2  }
0x36: {  	[hbm4b:s3+s2] =	stream.indirect_vreg.scatter [tilespmem:s15], [sflag:$0x1], $0x80, v4, vm0, $0xb8;
	[tilespmem:$0xC080] =	vst v63  }
0x37: {  	v3 =	vadd.s32 v1, v3  }
0x38: {  	[hbm4b:s4+s2] =	stream.indirect_vreg.scatter [tilespmem:s16], [sflag:$0x1], $0x80, v4, vm0, $0xb8;
	[tilespmem:$0xC080] =	vst v63  }
0x39: {  	_ = 	snop  }
0x3a: {  	[hbm4b:s5+s2] =	stream.indirect_vreg.scatter [tilespmem:s17], [sflag:$0x1], $0x80, v4, vm0, $0xb8;
	[tilespmem:$0xC080] =	vst v63  }
0x3b: {  	_ = 	snop  }
0x3c: {  	[hbm4b:s3+s2] =	stream.indirect_vreg.scatter [tilespmem:s18], [sflag:$0x1], $0x80, v3, vm0, $0xb8;
	[tilespmem:$0xC080] =	vst v63  }
0x3d: {  	_ = 	snop  }
0x3e: {  	[hbm4b:s4+s2] =	stream.indirect_vreg.scatter [tilespmem:s19], [sflag:$0x1], $0x80, v3, vm0, $0xb8;
	[tilespmem:$0xC080] =	vst v63  }
0x3f: {  	_ = 	snop  }
0x40: {  	[hbm4b:s5+s2] =	stream.indirect_vreg.scatter [tilespmem:s20], [sflag:$0x1], $0x80, v3, vm0, $0xb8;
	[tilespmem:$0xC080] =	vst v63  }
0x41: {  	v3 =	vld [tilespmem:$0x20];
	_ =	sdelay $0x4  }
0x42: {  	v58 =	vshrl.u32 v3, $0x3  }
0x43: {  	v4 =	vmul.u32 $0x30, v58  }
0x44: {  	v3 =	vand.u32 $0x7, v3  }
0x45: {  	v3 =	vor.u32 v3, v4  }
0x46: {  	v4 =	vperm.xlane v3, v0;
	_ =	sdelay $0x1  }
0x47: {  	v4 =	vadd.s32 v1, v4;
	_ =	sdelay $0x3  }
0x48: {  	v3 =	vperm.xlane v3, v2  }
0x49: {  	[hbm4b:s3+s2] =	stream.indirect_vreg.scatter [tilespmem:s21], [sflag:$0x1], $0x80, v4, vm0, $0xb8;
	[tilespmem:$0xC080] =	vst v63  }
0x4a: {  	v3 =	vadd.s32 v1, v3  }
0x4b: {  	[hbm4b:s4+s2] =	stream.indirect_vreg.scatter [tilespmem:s22], [sflag:$0x1], $0x80, v4, vm0, $0xb8;
	[tilespmem:$0xC080] =	vst v63  }
0x4c: {  	_ = 	snop  }
0x4d: {  	[hbm4b:s5+s2] =	stream.indirect_vreg.scatter [tilespmem:s23], [sflag:$0x1], $0x80, v4, vm0, $0xb8;
	[tilespmem:$0xC080] =	vst v63  }
0x4e: {  	_ = 	snop  }
0x4f: {  	[hbm4b:s3+s2] =	stream.indirect_vreg.scatter [tilespmem:s24], [sflag:$0x1], $0x80, v3, vm0, $0xb8;
	[tilespmem:$0xC080] =	vst v63  }
0x50: {  	_ = 	snop  }
0x51: {  	[hbm4b:s4+s2] =	stream.indirect_vreg.scatter [tilespmem:s25], [sflag:$0x1], $0x80, v3, vm0, $0xb8;
	[tilespmem:$0xC080] =	vst v63  }
0x52: {  	_ = 	snop  }
0x53: {  	[hbm4b:s5+s2] =	stream.indirect_vreg.scatter [tilespmem:s26], [sflag:$0x1], $0x80, v3, vm0, $0xb8;
	[tilespmem:$0xC080] =	vst v63  }
0x54: {  	v3 =	vld [tilespmem:$0x30];
	_ =	sdelay $0x4  }
0x55: {  	v59 =	vshrl.u32 v3, $0x3  }
0x56: {  	v4 =	vmul.u32 $0x30, v59  }
0x57: {  	v3 =	vand.u32 $0x7, v3  }
0x58: {  	v3 =	vor.u32 v3, v4  }
0x59: {  	v4 =	vperm.xlane v3, v0;
	_ =	sdelay $0x1  }
0x5a: {  	v4 =	vadd.s32 v1, v4;
	_ =	sdelay $0x3  }
0x5b: {  	v3 =	vperm.xlane v3, v2  }
0x5c: {  	[hbm4b:s3+s2] =	stream.indirect_vreg.scatter [tilespmem:s28], [sflag:$0x1], $0x80, v4, vm0, $0xb8;
	[tilespmem:$0xC080] =	vst v63  }
0x5d: {  	v3 =	vadd.s32 v1, v3  }
0x5e: {  	[hbm4b:s4+s2] =	stream.indirect_vreg.scatter [tilespmem:s29], [sflag:$0x1], $0x80, v4, vm0, $0xb8;
	[tilespmem:$0xC080] =	vst v63  }
0x5f: {  	_ = 	snop  }
0x60: {  	[hbm4b:s5+s2] =	stream.indirect_vreg.scatter [tilespmem:s30], [sflag:$0x1], $0x80, v4, vm0, $0xb8;
	[tilespmem:$0xC080] =	vst v63  }
0x61: {  	_ = 	snop  }
0x62: {  	[hbm4b:s3+s2] =	stream.indirect_vreg.scatter [tilespmem:s31], [sflag:$0x1], $0x80, v3, vm0, $0xb8;
	[tilespmem:$0xC080] =	vst v63  }
0x63: {  	s7 =	simm.s32 $0xB080  }
0x64: {  	[hbm4b:s4+s2] =	stream.indirect_vreg.scatter [tilespmem:s7], [sflag:$0x1], $0x80, v3, vm0, $0xb8;
	[tilespmem:$0xC080] =	vst v63  }
0x65: {  	s7 =	simm.s32 $0xB880  }
0x66: {  	[hbm4b:s5+s2] =	stream.indirect_vreg.scatter [tilespmem:s7], [sflag:$0x1], $0x80, v3, vm0, $0xb8;
	[tilespmem:$0xC080] =	vst v63  }
0x67: {  	_ =	swait.ge [sflag:s1], $0xC000  }
0x68: {  	[sflag:s1] =	ssyncset.done $0x0  }
0x69: {  	s9 =	rddreg [dreg:$0x5];
	[sflag:s1] =	ssyncadd.s32 $0xFFFF4000  }
0x6a: {  	[tilespmem:s2], [sflag:$0x2] =	stream.linear.gather [hbm4b:s9+s2], $0x40, $0x38;
	[tilespmem:$0xC080] =	vst v63  }
0x6b: {  	_ =	swait.ge [sflag:s8], $0x40  }
0x6c: {  	[sflag:s8] =	ssyncset.done $0x0  }
0x6d: {  	[sflag:s8] =	ssyncadd.s32 $0xFFFFFFC0  }
0x6e: {  	v3 =	vld [tilespmem:$0x0];
	_ =	sdelay $0x4  }
0x6f: {  	v60 =	vshrl.u32 v3, $0x3  }
0x70: {  	v4 =	vmul.u32 $0x30, v60  }
0x71: {  	v3 =	vand.u32 $0x7, v3  }
0x72: {  	v3 =	vor.u32 v3, v4  }
0x73: {  	v4 =	vperm.xlane v3, v0;
	_ =	sdelay $0x1  }
0x74: {  	v4 =	vadd.s32 v1, v4;
	_ =	sdelay $0x3  }
0x75: {  	v3 =	vperm.xlane v3, v2  }
0x76: {  	[hbm4b:s3+s2] =	stream.indirect_vreg.scatter [tilespmem:s0], [sflag:$0x1], $0x80, v4, vm0, $0xb8;
	[tilespmem:$0xC080] =	vst v63  }
0x77: {  	v3 =	vadd.s32 v1, v3  }
0x78: {  	[hbm4b:s4+s2] =	stream.indirect_vreg.scatter [tilespmem:s10], [sflag:$0x1], $0x80, v4, vm0, $0xb8;
	[tilespmem:$0xC080] =	vst v63  }
0x79: {  	_ = 	snop  }
0x7a: {  	[hbm4b:s5+s2] =	stream.indirect_vreg.scatter [tilespmem:s11], [sflag:$0x1], $0x80, v4, vm0, $0xb8;
	[tilespmem:$0xC080] =	vst v63  }
0x7b: {  	_ = 	snop  }
0x7c: {  	[hbm4b:s3+s2] =	stream.indirect_vreg.scatter [tilespmem:s12], [sflag:$0x1], $0x80, v3, vm0, $0xb8;
	[tilespmem:$0xC080] =	vst v63  }
0x7d: {  	_ = 	snop  }
0x7e: {  	[hbm4b:s4+s2] =	stream.indirect_vreg.scatter [tilespmem:s13], [sflag:$0x1], $0x80, v3, vm0, $0xb8;
	[tilespmem:$0xC080] =	vst v63  }
0x7f: {  	_ = 	snop  }
0x80: {  	[hbm4b:s5+s2] =	stream.indirect_vreg.scatter [tilespmem:s14], [sflag:$0x1], $0x80, v3, vm0, $0xb8;
	[tilespmem:$0xC080] =	vst v63  }
0x81: {  	v3 =	vld [tilespmem:$0x10];
	_ =	sdelay $0x4  }
0x82: {  	v61 =	vshrl.u32 v3, $0x3  }
0x83: {  	v4 =	vmul.u32 $0x30, v61  }
0x84: {  	v3 =	vand.u32 $0x7, v3  }
0x85: {  	v3 =	vor.u32 v3, v4  }
0x86: {  	v4 =	vperm.xlane v3, v0;
	_ =	sdelay $0x1  }
0x87: {  	v4 =	vadd.s32 v1, v4;
	_ =	sdelay $0x3  }
0x88: {  	v3 =	vperm.xlane v3, v2  }
0x89: {  	[hbm4b:s3+s2] =	stream.indirect_vreg.scatter [tilespmem:s15], [sflag:$0x1], $0x80, v4, vm0, $0xb8;
	[tilespmem:$0xC080] =	vst v63  }
0x8a: {  	v3 =	vadd.s32 v1, v3  }
0x8b: {  	[hbm4b:s4+s2] =	stream.indirect_vreg.scatter [tilespmem:s16], [sflag:$0x1], $0x80, v4, vm0, $0xb8;
	[tilespmem:$0xC080] =	vst v63  }
0x8c: {  	_ = 	snop  }
0x8d: {  	[hbm4b:s5+s2] =	stream.indirect_vreg.scatter [tilespmem:s17], [sflag:$0x1], $0x80, v4, vm0, $0xb8;
	[tilespmem:$0xC080] =	vst v63  }
0x8e: {  	_ = 	snop  }
0x8f: {  	[hbm4b:s3+s2] =	stream.indirect_vreg.scatter [tilespmem:s18], [sflag:$0x1], $0x80, v3, vm0, $0xb8;
	[tilespmem:$0xC080] =	vst v63  }
0x90: {  	_ = 	snop  }
0x91: {  	[hbm4b:s4+s2] =	stream.indirect_vreg.scatter [tilespmem:s19], [sflag:$0x1], $0x80, v3, vm0, $0xb8;
	[tilespmem:$0xC080] =	vst v63  }
0x92: {  	_ = 	snop  }
0x93: {  	[hbm4b:s5+s2] =	stream.indirect_vreg.scatter [tilespmem:s20], [sflag:$0x1], $0x80, v3, vm0, $0xb8;
	[tilespmem:$0xC080] =	vst v63  }
0x94: {  	v3 =	vld [tilespmem:$0x20];
	_ =	sdelay $0x4  }
0x95: {  	v62 =	vshrl.u32 v3, $0x3  }
0x96: {  	v4 =	vmul.u32 $0x30, v62  }
0x97: {  	v3 =	vand.u32 $0x7, v3  }
0x98: {  	v3 =	vor.u32 v3, v4  }
0x99: {  	v4 =	vperm.xlane v3, v0;
	_ =	sdelay $0x1  }
0x9a: {  	v4 =	vadd.s32 v1, v4;
	_ =	sdelay $0x3  }
0x9b: {  	v3 =	vperm.xlane v3, v2  }
0x9c: {  	[hbm4b:s3+s2] =	stream.indirect_vreg.scatter [tilespmem:s21], [sflag:$0x1], $0x80, v4, vm0, $0xb8;
	[tilespmem:$0xC080] =	vst v63  }
0x9d: {  	v3 =	vadd.s32 v1, v3  }
0x9e: {  	[hbm4b:s4+s2] =	stream.indirect_vreg.scatter [tilespmem:s22], [sflag:$0x1], $0x80, v4, vm0, $0xb8;
	[tilespmem:$0xC080] =	vst v63  }
0x9f: {  	_ = 	snop  }
0xa0: {  	[hbm4b:s5+s2] =	stream.indirect_vreg.scatter [tilespmem:s23], [sflag:$0x1], $0x80, v4, vm0, $0xb8;
	[tilespmem:$0xC080] =	vst v63  }
0xa1: {  	_ = 	snop  }
0xa2: {  	[hbm4b:s3+s2] =	stream.indirect_vreg.scatter [tilespmem:s24], [sflag:$0x1], $0x80, v3, vm0, $0xb8;
	[tilespmem:$0xC080] =	vst v63  }
0xa3: {  	_ = 	snop  }
0xa4: {  	[hbm4b:s4+s2] =	stream.indirect_vreg.scatter [tilespmem:s25], [sflag:$0x1], $0x80, v3, vm0, $0xb8;
	[tilespmem:$0xC080] =	vst v63  }
0xa5: {  	_ = 	snop  }
0xa6: {  	[hbm4b:s5+s2] =	stream.indirect_vreg.scatter [tilespmem:s26], [sflag:$0x1], $0x80, v3, vm0, $0xb8;
	[tilespmem:$0xC080] =	vst v63  }
0xa7: {  	v3 =	vld [tilespmem:$0x30];
	_ =	sdelay $0x4  }
0xa8: {  	v63 =	vshrl.u32 v3, $0x3  }
0xa9: {  	v4 =	vmul.u32 $0x30, v63  }
0xaa: {  	v3 =	vand.u32 $0x7, v3  }
0xab: {  	v3 =	vor.u32 v3, v4  }
0xac: {  	v4 =	vperm.xlane v3, v0;
	_ =	sdelay $0x1  }
0xad: {  	v4 =	vadd.s32 v1, v4;
	_ =	sdelay $0x3  }
0xae: {  	v3 =	vperm.xlane v3, v2  }
0xaf: {  	[hbm4b:s3+s2] =	stream.indirect_vreg.scatter [tilespmem:s28], [sflag:$0x1], $0x80, v4, vm0, $0xb8;
	[tilespmem:$0xC080] =	vst v63  }
0xb0: {  	v3 =	vadd.s32 v1, v3  }
0xb1: {  	[hbm4b:s4+s2] =	stream.indirect_vreg.scatter [tilespmem:s29], [sflag:$0x1], $0x80, v4, vm0, $0xb8;
	[tilespmem:$0xC080] =	vst v63  }
0xb2: {  	_ = 	snop  }
0xb3: {  	[hbm4b:s5+s2] =	stream.indirect_vreg.scatter [tilespmem:s30], [sflag:$0x1], $0x80, v4, vm0, $0xb8;
	[tilespmem:$0xC080] =	vst v63  }
0xb4: {  	_ = 	snop  }
0xb5: {  	[hbm4b:s3+s2] =	stream.indirect_vreg.scatter [tilespmem:s31], [sflag:$0x1], $0x80, v3, vm0, $0xb8;
	[tilespmem:$0xC080] =	vst v63  }
0xb6: {  	p0 =	sne.s32 s6, $0x1;
	s9 =	simm.s32 $0xB080  }
0xb7: {  	[hbm4b:s4+s2] =	stream.indirect_vreg.scatter [tilespmem:s9], [sflag:$0x1], $0x80, v3, vm0, $0xb8;
	[tilespmem:$0xC080] =	vst v63  }
.Ltmp0:
0xb8: {  	_ = 	snop;
	(pc) =	sbr.rel @p0 .LBB2_1-.Ltmp0, $4  }
0xb9: {  	[hbm4b:s5+s2] =	stream.indirect_vreg.scatter [tilespmem:s7], [sflag:$0x1], $0x80, v3, vm0, $0xb8;
	[tilespmem:$0xC080] =	vst v63  }
0xba: {  	_ =	swait.ge [sflag:s1], $0xC000  }
0xbb: {  	[sflag:s1] =	ssyncset.done $0x0  }
0xbc: {  	s6 =	sadd.s32 $0xFFFFFFFF, s6;
	[sflag:s1] =	ssyncadd.s32 $0xFFFF4000  }
0xbd: {  	_ =	sfence.sel $0x180000  }
0xbe: {  	[bflag:$0x0] =	sbarrier.arrive $0xFFFF  }
0xbf: {  	_ =	strace $0x90000047  }
0xc0: {  	s0 =	stileid.u32;
	[bflag:$0x2] =	sbarrier.arrive $0xFFFF  }
0xc1: {  	p0 =	sne.s32 s0, $0x0;
	s0 =	rddreg [dreg:$0x2]  }
0xc2: {  	s0 =	sadd.s32 @!p0 $0x100000, s0  }
0xc3: {  	[sflag:s0] =	ssyncadd.tile.s32 @!p0 $0x1;
	_ =	shalt  }
.Lfunc_end2:
_tile_overlayer_lowered:
.L_overlay_start_2:
0xc4: {  	(tag) =	ssettag $0x2  }
0xc5: {  	s0 =	rddreg [dreg:$0x0];
	s2 =	stileid.u32  }
0xc6: {  	s1 =	rddreg [dreg:$0x1];
	p0 =	sne.s32 s2, $0x0  }
0xc7: {  	s3 =	rddreg [dreg:$0x2];
	[bflag:$0x3] =	sbarrier.arrive $0xFFFF;
	s2 =	simm.s32 @!p0 $0x1C02  }
0xc8: {  	[timem:s3], [sflag:s2] =	dma.local @!p0 [hbm:s0], s1  }
0xc9: {  	s0 =	simm.s32 @!p0 $0x2  }
0xca: {  	_ =	swait.ge @!p0 [sflag:s0], s1  }
0xcb: {  	s1 =	ssub.s32 @!p0 $0x0, s1;
	[sflag:s0] =	ssyncset.done @!p0 $0x0  }
0xcc: {  	[sflag:s0] =	ssyncadd.s32 @!p0 s1  }
0xcd: {  	[bflag:$0x3] =	sbarrier.arrive $0xFFFF  }
0xce: {  	_ =	shalt  }

// kernel: kernel.13.cloned.1.call-start
scs
__scs_entry_jumppad:
0x0: {  	(pc) =	sbr.rel $0x88, $3  }
0x1: {  	(tag) =	ssettag $0x0;
	lr =	simm.s32 $0x1  }
0x2: {  	[smem:$0x3F93] =	sst lr;
	_ =	strace $0xD0000000  }
0x3: {  	_ = 	snop  }
0x4: {  	_ = 	snop  }
0x5: {  	_ = 	snop  }
0x6: {  	_ = 	snop  }
0x7: {  	_ = 	snop  }
__scs_overlays_trampoline_lowered:
0x8: {  	[smem:$0x3FA2] =	sst s0  }
0x9: {  	[smem:$0x3FA3] =	sst s1  }
0xa: {  	[smem:$0x3FA4] =	sst s2  }
0xb: {  	[smem:$0x3FA5] =	sst s3  }
0xc: {  	[smem:$0x3FA6] =	sst s4  }
0xd: {  	[smem:$0x3FA7] =	sst s5  }
0xe: {  	[smem:$0x3FA8] =	sst s6  }
0xf: {  	[smem:$0x3FA9] =	sst s7  }
0x10: {  	[smem:$0x3FAA] =	sst s8  }
0x11: {  	[smem:$0x3FAB] =	sst s9;
	s0 =	simm.s32 @!p0 $0x0  }
0x12: {  	s1 =	sld [smem:$0x3F91];
	s0 =	simm.s32 @p0 $0x1  }
0x13: {  	[smem:$0x3FAC] =	sst s0;
	s0 =	simm.s32 @!p1 $0x0  }
0x14: {  	s2 =	sld [smem:$0x3F90];
	s0 =	simm.s32 @p1 $0x1  }
0x15: {  	[smem:$0x3FAD] =	sst s0;
	s0 =	simm.s32 @!p2 $0x0  }
0x16: {  	s3 =	sld [smem:$0x3FDB];
	s0 =	simm.s32 @p2 $0x1  }
0x17: {  	s4 =	simm.s32 $0x1BF5;
	[smem:$0x3FAF] =	sst s0  }
0x18: {  	s0 =	sld [smem:$0x3F92];
	_ =	swait.ge [sflag:s4], $0x0  }
0x19: {  	s7 =	sld [smem:$0x3F93]  }
0x1a: {  	s8 =	sadd.s32 $0xFFFFE003, lr  }
0x1b: {  	s9 =	sadd.s32 $0xFFFFFEF7, lr;
	s5 =	simm.s32 $0xFFFFFFFF;
	p2 =	slt.u32 s8, $0xFFFFF086  }
0x1c: {  	p1 =	slt.u32 s9, $0xF7A;
	s5 =	simm.s32 @!p2 $0x0  }
0x1d: {  	s5 =	simm.s32 @p1 $0x1;
	p0 =	seq.s32 s7, s2  }
0x1e: {  	s7 =	smul.u32 @!p0 $0xF7A, s2;
	p2 =	seq.s32 @!p0 s5, $0x0  }
0x1f: {  	s9 =	smul.u32 $0xF7A, s1;
	s8 =	simm.s32 @!p0 $0x1BF5;
	p2 =	por !p2, p0  }
0x20: {  	[sflag:s8] =	ssyncset.s32 @!p0 $0xFFFFF086;
	s6 =	sadd.s32 @!p0 s3, s7;
	s7 =	simm.s32 @!p0 $0x108  }
0x21: {  	s3 =	sadd.s32 s3, s9;
	s6 =	sadd.s32 @!p0 $0x88, s6;
	s7 =	simm.s32 @p2 $0x1082  }
0x22: {  	[simem:s7], [sflag:s8] =	dma.local @!p0 [hbm:s6], $0xF7A  }
0x23: {  	s9 =	sor.u32 $0xD0000000, s2;
	s6 =	simm.s32 $0x108;
	_ =	swait.ge @!p0 [sflag:s8], $0x0  }
0x24: {  	s3 =	sadd.s32 $0x88, s3;
	s6 =	simm.s32 @!p1 $0x1082;
	[sflag:s4] =	ssyncset.s32 $0xFFFFF086  }
0x25: {  	[simem:s6], [sflag:s4] =	dma.local [hbm:s3], $0xF7A  }
0x26: {  	[smem:$0x3F93] =	sst s1;
	(tag) =	ssettag s2;
	_ =	strace s9  }
0x27: {  	s1 =	sld [smem:$0x3FA3]  }
0x28: {  	s2 =	sld [smem:$0x3FA4]  }
0x29: {  	s4 =	sld [smem:$0x3FA6]  }
0x2a: {  	p0 =	seq.s32 s5, $0x0;
	s5 =	sld [smem:$0x3FA7]  }
0x2b: {  	s6 =	sld [smem:$0x3FA8]  }
0x2c: {  	s7 =	sld [smem:$0x3FA9]  }
0x2d: {  	s3 =	simm.s32 $0x108;
	s8 =	sld [smem:$0x3FAA]  }
0x2e: {  	s3 =	simm.s32 @!p0 $0x1082;
	s9 =	sld [smem:$0x3FAB]  }
0x2f: {  	lr =	sadd.s32 s0, s3;
	s0 =	sld [smem:$0x3FA2]  }
0x30: {  	s3 =	sld [smem:$0x3FA5]  }
0x31: {  	[smem:$0x3FAE] =	sst s10  }
0x32: {  	s10 =	sld [smem:$0x3FAC];
	_ =	sdelay $0x3  }
0x33: {  	p0 =	seq.s32 s10, $0x1;
	s10 =	sld [smem:$0x3FAE];
	_ =	sdelay $0x3  }
0x34: {  	[smem:$0x3FAE] =	sst s10  }
0x35: {  	s10 =	sld [smem:$0x3FAD];
	_ =	sdelay $0x3  }
0x36: {  	p1 =	seq.s32 s10, $0x1;
	s10 =	sld [smem:$0x3FAE];
	_ =	sdelay $0x3  }
0x37: {  	[smem:$0x3FAE] =	sst s10  }
0x38: {  	s10 =	sld [smem:$0x3FAF]  }
0x39: {  	_ = 	snop;
	(pc) =	sbr.ind lr, $3  }
0x3a: {  	_ = 	snop  }
0x3b: {  	_ = 	snop  }
0x3c: {  	p2 =	seq.s32 s10, $0x1;
	s10 =	sld [smem:$0x3FAE]  }
0x3d: {  	_ =	shalt  }
0x3e: {  	_ =	shalt  }
0x3f: {  	_ =	shalt  }
0x40: {  	_ =	shalt  }
0x41: {  	_ =	shalt  }
0x42: {  	_ =	shalt  }
0x43: {  	_ =	shalt  }
0x44: {  	_ =	shalt  }
0x45: {  	_ =	shalt  }
0x46: {  	_ =	shalt  }
0x47: {  	_ =	shalt  }
0x48: {  	_ =	shalt  }
0x49: {  	_ =	shalt  }
0x4a: {  	_ =	shalt  }
0x4b: {  	_ =	shalt  }
0x4c: {  	_ =	shalt  }
0x4d: {  	_ =	shalt  }
0x4e: {  	_ =	shalt  }
0x4f: {  	_ =	shalt  }
0x50: {  	_ =	shalt  }
0x51: {  	_ =	shalt  }
0x52: {  	_ =	shalt  }
0x53: {  	_ =	shalt  }
0x54: {  	_ =	shalt  }
0x55: {  	_ =	shalt  }
0x56: {  	_ =	shalt  }
0x57: {  	_ =	shalt  }
0x58: {  	_ =	shalt  }
0x59: {  	_ =	shalt  }
0x5a: {  	_ =	shalt  }
0x5b: {  	_ =	shalt  }
0x5c: {  	_ =	shalt  }
0x5d: {  	_ =	shalt  }
0x5e: {  	_ =	shalt  }
0x5f: {  	_ =	shalt  }
0x60: {  	_ =	shalt  }
0x61: {  	_ =	shalt  }
0x62: {  	_ =	shalt  }
0x63: {  	_ =	shalt  }
0x64: {  	_ =	shalt  }
0x65: {  	_ =	shalt  }
0x66: {  	_ =	shalt  }
0x67: {  	_ =	shalt  }
0x68: {  	_ =	shalt  }
0x69: {  	_ =	shalt  }
0x6a: {  	_ =	shalt  }
0x6b: {  	_ =	shalt  }
0x6c: {  	_ =	shalt  }
0x6d: {  	_ =	shalt  }
0x6e: {  	_ =	shalt  }
0x6f: {  	_ =	shalt  }
0x70: {  	_ =	shalt  }
0x71: {  	_ =	shalt  }
0x72: {  	_ =	shalt  }
0x73: {  	_ =	shalt  }
0x74: {  	_ =	shalt  }
0x75: {  	_ =	shalt  }
0x76: {  	_ =	shalt  }
0x77: {  	_ =	shalt  }
0x78: {  	_ =	shalt  }
0x79: {  	_ =	shalt  }
0x7a: {  	_ =	shalt  }
0x7b: {  	_ =	shalt  }
0x7c: {  	_ =	shalt  }
0x7d: {  	_ =	shalt  }
0x7e: {  	_ =	shalt  }
0x7f: {  	_ =	shalt  }
0x80: {  	_ =	shalt  }
0x81: {  	_ =	shalt  }
0x82: {  	_ =	shalt  }
0x83: {  	_ =	shalt  }
0x84: {  	_ =	shalt  }
0x85: {  	_ =	shalt  }
0x86: {  	_ =	shalt  }
0x87: {  	_ =	shalt  }
.Lfunc_end0:
.L_simem_size_0:
called_computation.1_lowered:
.L_overlay_start_0:
0x88: {  	s2 =	sld [smem:$0x3FD9]  }
0x89: {  	s3 =	sld [smem:$0x3FFE];
	_ =	sdelay $0x1  }
0x8a: {  	s1 =	srdreg.scid  }
0x8b: {  	s0 =	sand.u32 $0x1, s1  }
0x8c: {  	s17 =	sshll.u32 s0, $0xA;
	s2 =	sadd.s32 s3, s2  }
0x8d: {  	s2 =	sadd.s32 s2, s17  }
0x8e: {  	[smem:$0x3FBA] =	sst s2  }
0x8f: {  	_ = 	snop  }
0x90: {  	s2 =	sld [smem:$0x3FD0];
	(tm) =	ssettm $0x1  }
0x91: {  	s18 =	sld [smem:$0x3FFB];
	_ =	sdelay $0x3  }
0x92: {  	_ =	strace s18  }
0x93: {  	s3 =	sld [smem:$0x3FFC];
	_ =	sdelay $0x3  }
0x94: {  	_ =	strace s3  }
0x95: {  	s3 =	sld [smem:$0x3FFD];
	_ =	sdelay $0x3  }
0x96: {  	_ =	strace s3  }
0x97: {  	_ =	strace $0x8FFFFFFF  }
0x98: {  	s19 =	sld [smem:$0x3FDB];
	_ =	sdelay $0x1  }
0x99: {  	s4 =	simm.s32 $_scs_section_size  }
0x9a: {  	s5 =	simm.s32 $_size__tile_overlayer_lowered;
	s6 =	simm.s32 $_tile_overlayer_lowered  }
0x9b: {  	s22 =	simm.s32 $0x1BFF;
	s21 =	sshll.u32 s6, $0x1;
	s3 =	sadd.s32 s4, s19  }
0x9c: {  	s7 =	simm.s32 $0x0;
	s20 =	sshll.u32 s5, $0x1;
	s5 =	sadd.s32 s21, s3  }
0x9d: {  	[timem:s7], [sflag:s22] =	dma.local [hbm:s5], s20  }
0x9e: {  	_ =	swait.ge [sflag:s22], s20  }
0x9f: {  	s4 =	ssub.s32 $0x0, s20;
	[sflag:s22] =	ssyncset.done $0x0  }
0xa0: {  	[sflag:s22] =	ssyncadd.s32 s4;
	_ =	sdelay $0x1  }
0xa1: {  	s23 =	simm.s32 $0x1B8B  }
0xa2: {  	_ =	swait.ge [sflag:s23], $0x1  }
0xa3: {  	[sflag:s23] =	ssyncset.done $0x0  }
0xa4: {  	s25 =	simm.s32 $0x1B8E;
	s24 =	sld [smem:$0x3FFE];
	[sflag:s23] =	ssyncadd.s32 $0xFFFFFFFF  }
0xa5: {  	s26 =	simm.s32 $execute0_lowered;
	[smem:$0x3FD2] =	sst s25  }
0xa6: {  	s5 =	sshll.u32 s26, $0x1;
	_ =	strace $0x80000049;
	[dreg:$0x1] =	wrdreg $0xFFFFFFFF  }
0xa7: {  	s28 =	simm.s32 $_size_execute0_lowered;
	s3 =	sadd.s32 s3, s5;
	[dreg:$0x0] =	wrdreg $0x0  }
0xa8: {  	s5 =	sshll.u32 s28, $0x1;
	[dreg:$0x2] =	wrdreg s3  }
0xa9: {  	[dreg:$0x3] =	wrdreg s5  }
0xaa: {  	[dreg:$0x4] =	wrdreg $0xC0  }
0xab: {  	_ =	task [dreg:s7], $0x5FFFF  }
0xac: {  	[dreg:$0x1] =	wrdreg $0xFFFFFFFF  }
0xad: {  	[dreg:$0x0] =	wrdreg $0x60  }
0xae: {  	[dreg:$0x2] =	wrdreg s24  }
0xaf: {  	[dreg:$0x3] =	wrdreg s2  }
0xb0: {  	[dreg:$0x4] =	wrdreg $0x9  }
0xb1: {  	_ =	task.clear_ibuf [dreg:s7], $0x5FFFF;
	_ =	strace $0x90000049  }
0xb2: {  	s29 =	simm.s32 $0x9;
	_ =	strace $0x8000004B  }
0xb3: {  	_ =	swait.ge [sflag:s29], $0x1  }
0xb4: {  	[sflag:s29] =	ssyncadd.s32 $0xFFFFFFFF  }
0xb5: {  	_ =	strace $0x9000004B  }
0xb6: {  	_ =	sfence  }
0xb7: {  	s30 =	sld [smem:$0x0];
	_ =	sdelay $0x2  }
0xb8: {  	s31 =	sshll.u32 s1, $0xD;
	s1 =	sshrl.u32 s1, $0x2  }
0xb9: {  	s3 =	sand.u32 $0x4000, s31;
	s1 =	sadd.s32 s1, s30  }
0xba: {  	s0 =	sor.u32 s3, s0;
	s1 =	sshll.u32 s1, $0x11  }
0xbb: {  	s0 =	sor.u32 s1, s0  }
0xbc: {  	s0 =	sadd.s32 $0x8F2B, s0  }
0xbd: {  	[sflag:s0] =	ssyncadd.remote.s32 $0x1  }
0xbe: {  	_ =	sfence.sel $0xFFFF  }
0xbf: {  	[dreg:$0x0] =	wrdreg $0xFFFFFFFF;
	(pc) =	sbr.abs _section_cstart, $3  }
0xc0: {  	[dreg:$0x1] =	wrdreg $0xFFFFFFFF  }
0xc1: {  	_ =	task.clear_ibuf [dreg:s7], $0x2FFFF;
	_ =	strace $0x9FFFFFFF  }
0xc2: {  	(tm) =	ssettm $0x7FFFFFFF  }
0xc3: {  	_ =	shalt  }
tec
execute0_lowered:
.L_overlay_start_1:
0x0: {  	(tag) =	ssettag $0x1  }
0x1: {  	s0 =	srdreg.scid;
	s1 =	rddreg [dreg:$0x0]  }
0x2: {  	s2 =	stileid.u32;
	s4 =	rddreg [dreg:$0x1];
	s10 =	simm.s32 $0x880  }
0x3: {  	s11 =	simm.s32 $0x1080;
	s12 =	simm.s32 $0x1880;
	s13 =	simm.s32 $0x2080  }
0x4: {  	s14 =	simm.s32 $0x2880;
	s15 =	simm.s32 $0x3080;
	s16 =	simm.s32 $0x3880  }
0x5: {  	s17 =	simm.s32 $0x4080;
	s18 =	simm.s32 $0x4880;
	s19 =	simm.s32 $0x5080  }
0x6: {  	s20 =	simm.s32 $0x5880;
	s21 =	simm.s32 $0x6080;
	s22 =	simm.s32 $0x6880  }
0x7: {  	s23 =	simm.s32 $0x7080;
	s28 =	simm.s32 $0x9080;
	s29 =	simm.s32 $0x9880  }
0x8: {  	s30 =	simm.s32 $0xA080;
	s31 =	simm.s32 $0xA880;
	s0 =	sand.u32 $0x1, s0  }
0x9: {  	s3 =	sshll.u32 s2, $0x4;
	s2 =	simm.s32 $0x0;
	s5 =	sshll.u32 s0, $0x3  }
0xa: {  	[smem:$0x7FF] =	sst s2;
	s0 =	ssub.s32 $0x2, s0;
	s3 =	sor.u32 s5, s3  }
0xb: {  	_ =	strace $0x8000004A;
	s24 =	sshrl.u32 s0, $0x1;
	s5 =	smul.u32 $0x300, s3  }
0xc: {  	s6 =	sadd.s32 s3, s1;
	s3 =	sadd.s32 $0x2200, s1;
	s0 =	ssub.s32 s0, s24  }
0xd: {  	s24 =	simm.s32 $0x7880;
	s8 =	sadd.s32 $0x2000, s6;
	s25 =	sadd.s32 $0x1E00, s6  }
0xe: {  	s6 =	smax.u32 s0, $0x1;
	s0 =	simm.s32 $0x1;
	[dreg:$0x3] =	wrdreg s8  }
0xf: {  	s7 =	sadd.s32 s5, s1;
	s4 =	sadd.s32 s4, s5;
	[dreg:$0x5] =	wrdreg s25  }
0x10: {  	v2 =	vlaneseq.u32;
	s5 =	sadd.s32 $0x2400, s1;
	s25 =	simm.s32 $0x8080;
	[dreg:$0x4] =	wrdreg s4  }
0x11: {  	vm0 =	vmmov $0xffff;
	v1 =	vshrl.u32 v2, $0x3;
	s26 =	sadd.s32 $0x7A200, s7;
	s4 =	sadd.s32 $0x2300, s1;
	s7 =	simm.s32 $0x2  }
0x12: {  	v0 =	vand.u32 $0x7, v2;
	v2 =	vor.u32 $0x8, v2;
	v1 =	vmul.u32 $0x8, v1;
	s1 =	simm.s32 $0x80;
	[dreg:$0x6] =	wrdreg s26;
	s26 =	simm.s32 $0x8880  }
.LBB2_1:
0x13: {  	s9 =	rddreg [dreg:$0x3]  }
0x14: {  	[tilespmem:s2], [sflag:$0x2] =	stream.linear.gather [hbm4b:s9+s2], $0x40, $0x38;
	[tilespmem:$0xC080] =	vst v63  }
0x15: {  	_ =	swait.ge [sflag:s7], $0x40  }
0x16: {  	[sflag:s7] =	ssyncset.done $0x0  }
0x17: {  	[sflag:s7] =	ssyncadd.s32 $0xFFFFFFC0  }
0x18: {  	v3 =	vld [tilespmem:$0x0];
	_ =	sdelay $0x4  }
0x19: {  	v4 =	vshrl.u32 v3, $0x3  }
0x1a: {  	v4 =	vmul.u32 $0x30, v4  }
0x1b: {  	v3 =	vand.u32 $0x7, v3  }
0x1c: {  	v3 =	vor.u32 v3, v4  }
0x1d: {  	v4 =	vperm.xlane v3, v0;
	_ =	sdelay $0x1  }
0x1e: {  	v4 =	vadd.s32 v1, v4;
	_ =	sdelay $0x3  }
0x1f: {  	v3 =	vperm.xlane v3, v2  }
0x20: {  	[tilespmem:s1], [sflag:$0x1] =	stream.indirect_vreg.gather [hbm4b:s3+s2], $0x80, v4, vm0, $0xb8;
	[tilespmem:$0xC080] =	vst v63  }
0x21: {  	v3 =	vadd.s32 v1, v3  }
0x22: {  	[tilespmem:s10], [sflag:$0x1] =	stream.indirect_vreg.gather [hbm4b:s4+s2], $0x80, v4, vm0, $0xb8;
	[tilespmem:$0xC080] =	vst v63  }
0x23: {  	_ = 	snop  }
0x24: {  	[tilespmem:s11], [sflag:$0x1] =	stream.indirect_vreg.gather [hbm4b:s5+s2], $0x80, v4, vm0, $0xb8;
	[tilespmem:$0xC080] =	vst v63  }
0x25: {  	_ = 	snop  }
0x26: {  	[tilespmem:s12], [sflag:$0x1] =	stream.indirect_vreg.gather [hbm4b:s3+s2], $0x80, v3, vm0, $0xb8;
	[tilespmem:$0xC080] =	vst v63  }
0x27: {  	_ = 	snop  }
0x28: {  	[tilespmem:s13], [sflag:$0x1] =	stream.indirect_vreg.gather [hbm4b:s4+s2], $0x80, v3, vm0, $0xb8;
	[tilespmem:$0xC080] =	vst v63  }
0x29: {  	_ = 	snop  }
0x2a: {  	[tilespmem:s14], [sflag:$0x1] =	stream.indirect_vreg.gather [hbm4b:s5+s2], $0x80, v3, vm0, $0xb8;
	[tilespmem:$0xC080] =	vst v63  }
0x2b: {  	v3 =	vld [tilespmem:$0x10];
	_ =	sdelay $0x4  }
0x2c: {  	v57 =	vshrl.u32 v3, $0x3  }
0x2d: {  	v4 =	vmul.u32 $0x30, v57  }
0x2e: {  	v3 =	vand.u32 $0x7, v3  }
0x2f: {  	v3 =	vor.u32 v3, v4  }
0x30: {  	v4 =	vperm.xlane v3, v0;
	_ =	sdelay $0x1  }
0x31: {  	v4 =	vadd.s32 v1, v4;
	_ =	sdelay $0x3  }
0x32: {  	v3 =	vperm.xlane v3, v2  }
0x33: {  	[tilespmem:s15], [sflag:$0x1] =	stream.indirect_vreg.gather [hbm4b:s3+s2], $0x80, v4, vm0, $0xb8;
	[tilespmem:$0xC080] =	vst v63  }
0x34: {  	v3 =	vadd.s32 v1, v3  }
0x35: {  	[tilespmem:s16], [sflag:$0x1] =	stream.indirect_vreg.gather [hbm4b:s4+s2], $0x80, v4, vm0, $0xb8;
	[tilespmem:$0xC080] =	vst v63  }
0x36: {  	_ = 	snop  }
0x37: {  	[tilespmem:s17], [sflag:$0x1] =	stream.indirect_vreg.gather [hbm4b:s5+s2], $0x80, v4, vm0, $0xb8;
	[tilespmem:$0xC080] =	vst v63  }
0x38: {  	_ = 	snop  }
0x39: {  	[tilespmem:s18], [sflag:$0x1] =	stream.indirect_vreg.gather [hbm4b:s3+s2], $0x80, v3, vm0, $0xb8;
	[tilespmem:$0xC080] =	vst v63  }
0x3a: {  	_ = 	snop  }
0x3b: {  	[tilespmem:s19], [sflag:$0x1] =	stream.indirect_vreg.gather [hbm4b:s4+s2], $0x80, v3, vm0, $0xb8;
	[tilespmem:$0xC080] =	vst v63  }
0x3c: {  	_ = 	snop  }
0x3d: {  	[tilespmem:s20], [sflag:$0x1] =	stream.indirect_vreg.gather [hbm4b:s5+s2], $0x80, v3, vm0, $0xb8;
	[tilespmem:$0xC080] =	vst v63  }
0x3e: {  	v3 =	vld [tilespmem:$0x20];
	_ =	sdelay $0x4  }
0x3f: {  	v58 =	vshrl.u32 v3, $0x3  }
0x40: {  	v4 =	vmul.u32 $0x30, v58  }
0x41: {  	v3 =	vand.u32 $0x7, v3  }
0x42: {  	v3 =	vor.u32 v3, v4  }
0x43: {  	v4 =	vperm.xlane v3, v0;
	_ =	sdelay $0x1  }
0x44: {  	v4 =	vadd.s32 v1, v4;
	_ =	sdelay $0x3  }
0x45: {  	v3 =	vperm.xlane v3, v2  }
0x46: {  	[tilespmem:s21], [sflag:$0x1] =	stream.indirect_vreg.gather [hbm4b:s3+s2], $0x80, v4, vm0, $0xb8;
	[tilespmem:$0xC080] =	vst v63  }
0x47: {  	v3 =	vadd.s32 v1, v3  }
0x48: {  	[tilespmem:s22], [sflag:$0x1] =	stream.indirect_vreg.gather [hbm4b:s4+s2], $0x80, v4, vm0, $0xb8;
	[tilespmem:$0xC080] =	vst v63  }
0x49: {  	_ = 	snop  }
0x4a: {  	[tilespmem:s23], [sflag:$0x1] =	stream.indirect_vreg.gather [hbm4b:s5+s2], $0x80, v4, vm0, $0xb8;
	[tilespmem:$0xC080] =	vst v63  }
0x4b: {  	_ = 	snop  }
0x4c: {  	[tilespmem:s24], [sflag:$0x1] =	stream.indirect_vreg.gather [hbm4b:s3+s2], $0x80, v3, vm0, $0xb8;
	[tilespmem:$0xC080] =	vst v63  }
0x4d: {  	_ = 	snop  }
0x4e: {  	[tilespmem:s25], [sflag:$0x1] =	stream.indirect_vreg.gather [hbm4b:s4+s2], $0x80, v3, vm0, $0xb8;
	[tilespmem:$0xC080] =	vst v63  }
0x4f: {  	_ = 	snop  }
0x50: {  	[tilespmem:s26], [sflag:$0x1] =	stream.indirect_vreg.gather [hbm4b:s5+s2], $0x80, v3, vm0, $0xb8;
	[tilespmem:$0xC080] =	vst v63  }
0x51: {  	v3 =	vld [tilespmem:$0x30];
	_ =	sdelay $0x4  }
0x52: {  	v59 =	vshrl.u32 v3, $0x3  }
0x53: {  	v4 =	vmul.u32 $0x30, v59  }
0x54: {  	v3 =	vand.u32 $0x7, v3  }
0x55: {  	v3 =	vor.u32 v3, v4  }
0x56: {  	v4 =	vperm.xlane v3, v0;
	_ =	sdelay $0x1  }
0x57: {  	v4 =	vadd.s32 v1, v4;
	_ =	sdelay $0x3  }
0x58: {  	v3 =	vperm.xlane v3, v2  }
0x59: {  	[tilespmem:s28], [sflag:$0x1] =	stream.indirect_vreg.gather [hbm4b:s3+s2], $0x80, v4, vm0, $0xb8;
	[tilespmem:$0xC080] =	vst v63  }
0x5a: {  	v3 =	vadd.s32 v1, v3  }
0x5b: {  	[tilespmem:s29], [sflag:$0x1] =	stream.indirect_vreg.gather [hbm4b:s4+s2], $0x80, v4, vm0, $0xb8;
	[tilespmem:$0xC080] =	vst v63  }
0x5c: {  	_ = 	snop  }
0x5d: {  	[tilespmem:s30], [sflag:$0x1] =	stream.indirect_vreg.gather [hbm4b:s5+s2], $0x80, v4, vm0, $0xb8;
	[tilespmem:$0xC080] =	vst v63  }
0x5e: {  	_ = 	snop  }
0x5f: {  	[tilespmem:s31], [sflag:$0x1] =	stream.indirect_vreg.gather [hbm4b:s3+s2], $0x80, v3, vm0, $0xb8;
	[tilespmem:$0xC080] =	vst v63  }
0x60: {  	s8 =	simm.s32 $0xB080  }
0x61: {  	[tilespmem:s8], [sflag:$0x1] =	stream.indirect_vreg.gather [hbm4b:s4+s2], $0x80, v3, vm0, $0xb8;
	[tilespmem:$0xC080] =	vst v63  }
0x62: {  	s8 =	simm.s32 $0xB880  }
0x63: {  	[tilespmem:s8], [sflag:$0x1] =	stream.indirect_vreg.gather [hbm4b:s5+s2], $0x80, v3, vm0, $0xb8;
	[tilespmem:$0xC080] =	vst v63  }
0x64: {  	_ =	swait.ge [sflag:s0], $0xC000  }
0x65: {  	[sflag:s0] =	ssyncset.done $0x0  }
0x66: {  	s9 =	rddreg [dreg:$0x4];
	[sflag:s0] =	ssyncadd.s32 $0xFFFF4000  }
0x67: {  	[hbm4b:s9+s2] =	stream.linear.scatter [tilespmem:s1], [sflag:$0x2], $0xC000, $0x38;
	[tilespmem:$0xC080] =	vst v63  }
0x68: {  	_ =	swait.ge [sflag:s7], $0xC000  }
0x69: {  	[sflag:s7] =	ssyncset.done $0x0  }
0x6a: {  	s9 =	rddreg [dreg:$0x5];
	[sflag:s7] =	ssyncadd.s32 $0xFFFF4000  }
0x6b: {  	[tilespmem:s2], [sflag:$0x2] =	stream.linear.gather [hbm4b:s9+s2], $0x40, $0x38;
	[tilespmem:$0xC080] =	vst v63  }
0x6c: {  	_ =	swait.ge [sflag:s7], $0x40  }
0x6d: {  	[sflag:s7] =	ssyncset.done $0x0  }
0x6e: {  	[sflag:s7] =	ssyncadd.s32 $0xFFFFFFC0  }
0x6f: {  	v3 =	vld [tilespmem:$0x0];
	_ =	sdelay $0x4  }
0x70: {  	v60 =	vshrl.u32 v3, $0x3  }
0x71: {  	v4 =	vmul.u32 $0x30, v60  }
0x72: {  	v3 =	vand.u32 $0x7, v3  }
0x73: {  	v3 =	vor.u32 v3, v4  }
0x74: {  	v4 =	vperm.xlane v3, v0;
	_ =	sdelay $0x1  }
0x75: {  	v4 =	vadd.s32 v1, v4;
	_ =	sdelay $0x3  }
0x76: {  	v3 =	vperm.xlane v3, v2  }
0x77: {  	[tilespmem:s1], [sflag:$0x1] =	stream.indirect_vreg.gather [hbm4b:s3+s2], $0x80, v4, vm0, $0xb8;
	[tilespmem:$0xC080] =	vst v63  }
0x78: {  	v3 =	vadd.s32 v1, v3  }
0x79: {  	[tilespmem:s10], [sflag:$0x1] =	stream.indirect_vreg.gather [hbm4b:s4+s2], $0x80, v4, vm0, $0xb8;
	[tilespmem:$0xC080] =	vst v63  }
0x7a: {  	_ = 	snop  }
0x7b: {  	[tilespmem:s11], [sflag:$0x1] =	stream.indirect_vreg.gather [hbm4b:s5+s2], $0x80, v4, vm0, $0xb8;
	[tilespmem:$0xC080] =	vst v63  }
0x7c: {  	_ = 	snop  }
0x7d: {  	[tilespmem:s12], [sflag:$0x1] =	stream.indirect_vreg.gather [hbm4b:s3+s2], $0x80, v3, vm0, $0xb8;
	[tilespmem:$0xC080] =	vst v63  }
0x7e: {  	_ = 	snop  }
0x7f: {  	[tilespmem:s13], [sflag:$0x1] =	stream.indirect_vreg.gather [hbm4b:s4+s2], $0x80, v3, vm0, $0xb8;
	[tilespmem:$0xC080] =	vst v63  }
0x80: {  	_ = 	snop  }
0x81: {  	[tilespmem:s14], [sflag:$0x1] =	stream.indirect_vreg.gather [hbm4b:s5+s2], $0x80, v3, vm0, $0xb8;
	[tilespmem:$0xC080] =	vst v63  }
0x82: {  	v3 =	vld [tilespmem:$0x10];
	_ =	sdelay $0x4  }
0x83: {  	v61 =	vshrl.u32 v3, $0x3  }
0x84: {  	v4 =	vmul.u32 $0x30, v61  }
0x85: {  	v3 =	vand.u32 $0x7, v3  }
0x86: {  	v3 =	vor.u32 v3, v4  }
0x87: {  	v4 =	vperm.xlane v3, v0;
	_ =	sdelay $0x1  }
0x88: {  	v4 =	vadd.s32 v1, v4;
	_ =	sdelay $0x3  }
0x89: {  	v3 =	vperm.xlane v3, v2  }
0x8a: {  	[tilespmem:s15], [sflag:$0x1] =	stream.indirect_vreg.gather [hbm4b:s3+s2], $0x80, v4, vm0, $0xb8;
	[tilespmem:$0xC080] =	vst v63  }
0x8b: {  	v3 =	vadd.s32 v1, v3  }
0x8c: {  	[tilespmem:s16], [sflag:$0x1] =	stream.indirect_vreg.gather [hbm4b:s4+s2], $0x80, v4, vm0, $0xb8;
	[tilespmem:$0xC080] =	vst v63  }
0x8d: {  	_ = 	snop  }
0x8e: {  	[tilespmem:s17], [sflag:$0x1] =	stream.indirect_vreg.gather [hbm4b:s5+s2], $0x80, v4, vm0, $0xb8;
	[tilespmem:$0xC080] =	vst v63  }
0x8f: {  	_ = 	snop  }
0x90: {  	[tilespmem:s18], [sflag:$0x1] =	stream.indirect_vreg.gather [hbm4b:s3+s2], $0x80, v3, vm0, $0xb8;
	[tilespmem:$0xC080] =	vst v63  }
0x91: {  	_ = 	snop  }
0x92: {  	[tilespmem:s19], [sflag:$0x1] =	stream.indirect_vreg.gather [hbm4b:s4+s2], $0x80, v3, vm0, $0xb8;
	[tilespmem:$0xC080] =	vst v63  }
0x93: {  	_ = 	snop  }
0x94: {  	[tilespmem:s20], [sflag:$0x1] =	stream.indirect_vreg.gather [hbm4b:s5+s2], $0x80, v3, vm0, $0xb8;
	[tilespmem:$0xC080] =	vst v63  }
0x95: {  	v3 =	vld [tilespmem:$0x20];
	_ =	sdelay $0x4  }
0x96: {  	v62 =	vshrl.u32 v3, $0x3  }
0x97: {  	v4 =	vmul.u32 $0x30, v62  }
0x98: {  	v3 =	vand.u32 $0x7, v3  }
0x99: {  	v3 =	vor.u32 v3, v4  }
0x9a: {  	v4 =	vperm.xlane v3, v0;
	_ =	sdelay $0x1  }
0x9b: {  	v4 =	vadd.s32 v1, v4;
	_ =	sdelay $0x3  }
0x9c: {  	v3 =	vperm.xlane v3, v2  }
0x9d: {  	[tilespmem:s21], [sflag:$0x1] =	stream.indirect_vreg.gather [hbm4b:s3+s2], $0x80, v4, vm0, $0xb8;
	[tilespmem:$0xC080] =	vst v63  }
0x9e: {  	v3 =	vadd.s32 v1, v3  }
0x9f: {  	[tilespmem:s22], [sflag:$0x1] =	stream.indirect_vreg.gather [hbm4b:s4+s2], $0x80, v4, vm0, $0xb8;
	[tilespmem:$0xC080] =	vst v63  }
0xa0: {  	_ = 	snop  }
0xa1: {  	[tilespmem:s23], [sflag:$0x1] =	stream.indirect_vreg.gather [hbm4b:s5+s2], $0x80, v4, vm0, $0xb8;
	[tilespmem:$0xC080] =	vst v63  }
0xa2: {  	_ = 	snop  }
0xa3: {  	[tilespmem:s24], [sflag:$0x1] =	stream.indirect_vreg.gather [hbm4b:s3+s2], $0x80, v3, vm0, $0xb8;
	[tilespmem:$0xC080] =	vst v63  }
0xa4: {  	_ = 	snop  }
0xa5: {  	[tilespmem:s25], [sflag:$0x1] =	stream.indirect_vreg.gather [hbm4b:s4+s2], $0x80, v3, vm0, $0xb8;
	[tilespmem:$0xC080] =	vst v63  }
0xa6: {  	_ = 	snop  }
0xa7: {  	[tilespmem:s26], [sflag:$0x1] =	stream.indirect_vreg.gather [hbm4b:s5+s2], $0x80, v3, vm0, $0xb8;
	[tilespmem:$0xC080] =	vst v63  }
0xa8: {  	v3 =	vld [tilespmem:$0x30];
	_ =	sdelay $0x4  }
0xa9: {  	v63 =	vshrl.u32 v3, $0x3  }
0xaa: {  	v4 =	vmul.u32 $0x30, v63  }
0xab: {  	v3 =	vand.u32 $0x7, v3  }
0xac: {  	v3 =	vor.u32 v3, v4  }
0xad: {  	v4 =	vperm.xlane v3, v0;
	_ =	sdelay $0x1  }
0xae: {  	v4 =	vadd.s32 v1, v4;
	_ =	sdelay $0x3  }
0xaf: {  	v3 =	vperm.xlane v3, v2  }
0xb0: {  	[tilespmem:s28], [sflag:$0x1] =	stream.indirect_vreg.gather [hbm4b:s3+s2], $0x80, v4, vm0, $0xb8;
	[tilespmem:$0xC080] =	vst v63  }
0xb1: {  	v3 =	vadd.s32 v1, v3  }
0xb2: {  	[tilespmem:s29], [sflag:$0x1] =	stream.indirect_vreg.gather [hbm4b:s4+s2], $0x80, v4, vm0, $0xb8;
	[tilespmem:$0xC080] =	vst v63  }
0xb3: {  	_ = 	snop  }
0xb4: {  	[tilespmem:s30], [sflag:$0x1] =	stream.indirect_vreg.gather [hbm4b:s5+s2], $0x80, v4, vm0, $0xb8;
	[tilespmem:$0xC080] =	vst v63  }
0xb5: {  	_ = 	snop  }
0xb6: {  	[tilespmem:s31], [sflag:$0x1] =	stream.indirect_vreg.gather [hbm4b:s3+s2], $0x80, v3, vm0, $0xb8;
	[tilespmem:$0xC080] =	vst v63  }
0xb7: {  	s9 =	simm.s32 $0xB080  }
0xb8: {  	[tilespmem:s9], [sflag:$0x1] =	stream.indirect_vreg.gather [hbm4b:s4+s2], $0x80, v3, vm0, $0xb8;
	[tilespmem:$0xC080] =	vst v63  }
0xb9: {  	_ = 	snop  }
0xba: {  	[tilespmem:s8], [sflag:$0x1] =	stream.indirect_vreg.gather [hbm4b:s5+s2], $0x80, v3, vm0, $0xb8;
	[tilespmem:$0xC080] =	vst v63  }
0xbb: {  	_ =	swait.ge [sflag:s0], $0xC000  }
0xbc: {  	p0 =	sne.s32 s6, $0x1;
	[sflag:s0] =	ssyncset.done $0x0  }
.Ltmp0:
0xbd: {  	s8 =	rddreg [dreg:$0x6];
	[sflag:s0] =	ssyncadd.s32 $0xFFFF4000;
	(pc) =	sbr.rel @p0 .LBB2_1-.Ltmp0, $4  }
0xbe: {  	[hbm4b:s8+s2] =	stream.linear.scatter [tilespmem:s1], [sflag:$0x2], $0xC000, $0x38;
	[tilespmem:$0xC080] =	vst v63  }
0xbf: {  	_ =	swait.ge [sflag:s7], $0xC000  }
0xc0: {  	[sflag:s7] =	ssyncset.done $0x0  }
0xc1: {  	s6 =	sadd.s32 $0xFFFFFFFF, s6;
	[sflag:s7] =	ssyncadd.s32 $0xFFFF4000  }
0xc2: {  	_ =	sfence.sel $0x180000  }
0xc3: {  	[bflag:$0x0] =	sbarrier.arrive $0xFFFF  }
0xc4: {  	_ =	strace $0x9000004A  }
0xc5: {  	s0 =	stileid.u32;
	[bflag:$0x2] =	sbarrier.arrive $0xFFFF  }
0xc6: {  	p0 =	sne.s32 s0, $0x0;
	s0 =	rddreg [dreg:$0x2]  }
0xc7: {  	s0 =	sadd.s32 @!p0 $0x100000, s0  }
0xc8: {  	[sflag:s0] =	ssyncadd.tile.s32 @!p0 $0x1;
	_ =	shalt  }
.Lfunc_end2:
_tile_overlayer_lowered:
.L_overlay_start_2:
0xc9: {  	(tag) =	ssettag $0x2  }
0xca: {  	s0 =	rddreg [dreg:$0x0];
	s2 =	stileid.u32  }
0xcb: {  	s1 =	rddreg [dreg:$0x1];
	p0 =	sne.s32 s2, $0x0  }
0xcc: {  	s3 =	rddreg [dreg:$0x2];
	[bflag:$0x3] =	sbarrier.arrive $0xFFFF;
	s2 =	simm.s32 @!p0 $0x1C02  }
0xcd: {  	[timem:s3], [sflag:s2] =	dma.local @!p0 [hbm:s0], s1  }
0xce: {  	s0 =	simm.s32 @!p0 $0x2  }
0xcf: {  	_ =	swait.ge @!p0 [sflag:s0], s1  }
0xd0: {  	s1 =	ssub.s32 @!p0 $0x0, s1;
	[sflag:s0] =	ssyncset.done @!p0 $0x0  }
0xd1: {  	[sflag:s0] =	ssyncadd.s32 @!p0 s1  }
0xd2: {  	[bflag:$0x3] =	sbarrier.arrive $0xFFFF  }
0xd3: {  	_ =	shalt  }

</sc_bundles>
